<compile_context>
chip_gen: v7x
topology: tpu7x:2x2x1
jax: 0.10.2.dev20260603
libtpu: 0.0.44.dev20260713+nightly
codegen_flags: <defaults>
</compile_context>

<pallas_src>
import jax
import jax.numpy as jnp
from jax import lax
from jax.experimental import pallas as pl
from jax.experimental.pallas import tpu as pltpu
from jax.experimental.pallas import tpu_sc as plsc

N = 10000
E = 320000
D = 128
H = 8
DH = 16

NC = 2
NS = 16
NW = NC * NS
PER_W = E // NW
C = 80
ITERS = PER_W // C
NP = 10240
STRIPE = NP // NS

_f32 = jnp.float32


def _qkv_body(x_ref, wq_ref, bq_ref, wk_ref, bk_ref, wv_ref, bv_ref,
              q_ref, kv_ref):
    x = x_ref[...]
    q = jnp.dot(x, wq_ref[...], preferred_element_type=_f32) + bq_ref[...]
    k = jnp.dot(x, wk_ref[...], preferred_element_type=_f32) + bk_ref[...]
    v = jnp.dot(x, wv_ref[...], preferred_element_type=_f32) + bv_ref[...]
    q_ref[...] = q
    k16 = lax.bitcast_convert_type(k.astype(jnp.bfloat16), jnp.uint16)
    v16 = lax.bitcast_convert_type(v.astype(jnp.bfloat16), jnp.uint16)
    kv_ref[...] = (v16.astype(jnp.int32) << 16) | k16.astype(jnp.int32)


def _qkv(x, Wq, bq, Wk, bk, Wv, bv):
    bn = 1000
    grid = N // bn
    row_spec = pl.BlockSpec((bn, D), lambda i: (i, 0))
    w_spec = pl.BlockSpec((D, D), lambda i: (0, 0))
    b_spec = pl.BlockSpec((1, D), lambda i: (0, 0))
    return pl.pallas_call(
        _qkv_body,
        grid=(grid,),
        in_specs=[row_spec, w_spec, b_spec, w_spec, b_spec, w_spec, b_spec],
        out_specs=[row_spec, row_spec],
        out_shape=[jax.ShapeDtypeStruct((N, D), _f32),
                   jax.ShapeDtypeStruct((N, D), jnp.int32)],
    )(x, Wq, bq, Wk, bk, Wv, bv)


def _gather_body(q_hbm, kv_hbm, src_hbm, dst_hbm,
                 kvsrc_out, qdst_out,
                 sidx0, sidx1, didx0, didx1, kvb0, kvb1, qb0, qb1,
                 idxs0, idxs1, gats0, gats1, wbs0, wbs1):
    wid = lax.axis_index("s") * NC + lax.axis_index("c")
    base = wid * PER_W
    slots = ((sidx0, didx0, kvb0, qb0, idxs0, gats0, wbs0),
             (sidx1, didx1, kvb1, qb1, idxs1, gats1, wbs1))

    pltpu.async_copy(src_hbm.at[pl.ds(base, C)], sidx0, idxs0)
    pltpu.async_copy(dst_hbm.at[pl.ds(base, C)], didx0, idxs0)

    def body(g, _):
        for b in (0, 1):
            sidx, didx, kvb, qb, idxs, gats, wbs = slots[b]
            osidx, odidx = slots[1 - b][0], slots[1 - b][1]
            oidxs = slots[1 - b][4]

            @pl.when((g & 1) == b)
            def _():
                off = pl.multiple_of(base + g * C, 8)

                @pl.when(g >= 2)
                def _():
                    pltpu.make_async_copy(kvb, kvsrc_out.at[pl.ds(base, C)],
                                          wbs).wait()
                    pltpu.make_async_copy(qb, qdst_out.at[pl.ds(base, C)],
                                          wbs).wait()

                pltpu.make_async_copy(src_hbm.at[pl.ds(base, C)], sidx,
                                      idxs).wait()
                pltpu.make_async_copy(dst_hbm.at[pl.ds(base, C)], didx,
                                      idxs).wait()

                cpk = pltpu.async_copy(kv_hbm.at[sidx], kvb, gats)
                cpq = pltpu.async_copy(q_hbm.at[didx], qb, gats)

                @pl.when(g + 1 < ITERS)
                def _():
                    off2 = pl.multiple_of(base + (g + 1) * C, 8)
                    pltpu.async_copy(src_hbm.at[pl.ds(off2, C)], osidx, oidxs)
                    pltpu.async_copy(dst_hbm.at[pl.ds(off2, C)], odidx, oidxs)

                cpk.wait()
                cpq.wait()
                pltpu.async_copy(kvb, kvsrc_out.at[pl.ds(off, C)], wbs)
                pltpu.async_copy(qb, qdst_out.at[pl.ds(off, C)], wbs)

        return 0

    lax.fori_loop(0, ITERS, body, 0)

    for b in (0, 1):
        _, _, kvb, qb, _, _, wbs = slots[b]
        pltpu.make_async_copy(kvb, kvsrc_out.at[pl.ds(base, C)], wbs).wait()
        pltpu.make_async_copy(qb, qdst_out.at[pl.ds(base, C)], wbs).wait()


def _sc_gather(Q, KV, src, dst):
    mesh = plsc.VectorSubcoreMesh(core_axis_name="c", subcore_axis_name="s")
    fn = pl.kernel(
        _gather_body,
        out_type=[jax.ShapeDtypeStruct((E, D), jnp.int32),
                  jax.ShapeDtypeStruct((E, D), _f32)],
        mesh=mesh,
        scratch_types=[
            pltpu.VMEM((C,), jnp.int32),
            pltpu.VMEM((C,), jnp.int32),
            pltpu.VMEM((C,), jnp.int32),
            pltpu.VMEM((C,), jnp.int32),
            pltpu.VMEM((C, D), jnp.int32),
            pltpu.VMEM((C, D), jnp.int32),
            pltpu.VMEM((C, D), _f32),
            pltpu.VMEM((C, D), _f32),
            pltpu.SemaphoreType.DMA,
            pltpu.SemaphoreType.DMA,
            pltpu.SemaphoreType.DMA,
            pltpu.SemaphoreType.DMA,
            pltpu.SemaphoreType.DMA,
            pltpu.SemaphoreType.DMA,
        ],
    )
    return fn(Q, KV, src, dst)


def _msg_body(kvsrc_ref, qdst_ref, msgv_ref, srep_ref):
    w = kvsrc_ref[...]
    ksrc = lax.bitcast_convert_type(w << 16, _f32)
    vsrc = lax.bitcast_convert_type(w & jnp.int32(-65536), _f32)
    prod = ksrc * qdst_ref[...]
    jr = lax.broadcasted_iota(jnp.int32, (D, H), 0) // DH
    jc = lax.broadcasted_iota(jnp.int32, (D, H), 1)
    s8 = (jr == jc).astype(_f32)
    score = jnp.dot(prod, s8, preferred_element_type=_f32)
    score = jnp.exp(jnp.clip(score * 0.25, -5.0, 5.0))
    hr = lax.broadcasted_iota(jnp.int32, (H, D), 0)
    hc = lax.broadcasted_iota(jnp.int32, (H, D), 1) // DH
    s128 = (hr == hc).astype(_f32)
    srep = jnp.dot(score, s128, preferred_element_type=_f32)
    msgv_ref[...] = vsrc * srep
    srep_ref[...] = srep


def _msg(kvsrc, qdst):
    be = 2000
    grid = E // be
    row_spec = pl.BlockSpec((be, D), lambda i: (i, 0))
    return pl.pallas_call(
        _msg_body,
        grid=(grid,),
        in_specs=[row_spec, row_spec],
        out_specs=[row_spec, row_spec],
        out_shape=[jax.ShapeDtypeStruct((E, D), _f32),
                   jax.ShapeDtypeStruct((E, D), _f32)],
    )(kvsrc, qdst)


def _scatter_body(msg_hbm, dst_hbm, zeros_hbm, out,
                  didx0, didx1, buf0, buf1, acc, lds0, lds1):
    c = lax.axis_index("c")
    s = lax.axis_index("s")
    wid = s * NC + c
    r0 = pl.multiple_of(s * STRIPE, 8)

    pltpu.sync_copy(zeros_hbm.at[pl.ds(r0, STRIPE)], acc.at[pl.ds(r0, STRIPE)])
    plsc.subcore_barrier()

    base = wid * PER_W
    slots = ((didx0, buf0, lds0), (didx1, buf1, lds1))

    pltpu.async_copy(dst_hbm.at[pl.ds(base, C)], didx0, lds0)
    pltpu.async_copy(msg_hbm.at[pl.ds(base, C)], buf0, lds0)

    def body(g, _):
        for b in (0, 1):
            didx, buf, lds = slots[b]
            odidx, obuf, olds = slots[1 - b]

            @pl.when((g & 1) == b)
            def _():
                pltpu.make_async_copy(dst_hbm.at[pl.ds(base, C)], didx,
                                      lds).wait()
                pltpu.make_async_copy(msg_hbm.at[pl.ds(base, C)], buf,
                                      lds).wait()

                @pl.when(g + 1 < ITERS)
                def _():
                    off2 = pl.multiple_of(base + (g + 1) * C, 8)
                    pltpu.async_copy(dst_hbm.at[pl.ds(off2, C)], odidx, olds)
                    pltpu.async_copy(msg_hbm.at[pl.ds(off2, C)], obuf, olds)

                pltpu.sync_copy(buf, acc.at[didx], add=True)

        return 0

    lax.fori_loop(0, ITERS, body, 0)
    plsc.subcore_barrier()

    o0 = pl.multiple_of(c * NP + r0, 8)
    pltpu.sync_copy(acc.at[pl.ds(r0, STRIPE)], out.at[pl.ds(o0, STRIPE)])


def _sc_scatter(msg, dst, zeros):
    mesh = plsc.VectorSubcoreMesh(core_axis_name="c", subcore_axis_name="s")
    fn = pl.kernel(
        _scatter_body,
        out_type=[jax.ShapeDtypeStruct((NC * NP, D), _f32)],
        mesh=mesh,
        scratch_types=[
            pltpu.VMEM((C,), jnp.int32),
            pltpu.VMEM((C,), jnp.int32),
            pltpu.VMEM((C, D), _f32),
            pltpu.VMEM((C, D), _f32),
            pltpu.VMEM_SHARED((NP, D), _f32),
            pltpu.SemaphoreType.DMA,
            pltpu.SemaphoreType.DMA,
        ],
    )
    (out,) = fn(msg, dst, zeros)
    return out


def _ln(h, g, b):
    m = jnp.mean(h, axis=-1, keepdims=True)
    v = jnp.mean((h - m) ** 2, axis=-1, keepdims=True)
    return (h - m) * lax.rsqrt(v + 1e-5) * g + b


def _final_body(pv0_ref, pv1_ref, pz0_ref, pz1_ref, x_ref,
                ow_ref, ob_ref, g1_ref, b1_ref, g2_ref, b2_ref, out_ref):
    wv = pv0_ref[...] + pv1_ref[...]
    zrep = pz0_ref[...] + pz1_ref[...]
    attn = wv / (zrep + 0.001)
    h1 = _ln(x_ref[...] + attn, g1_ref[...], b1_ref[...])
    h2 = _ln(h1, g2_ref[...], b2_ref[...])
    out_ref[...] = h1 + jax.nn.relu(
        jnp.dot(h2, ow_ref[...], preferred_element_type=_f32) + ob_ref[...])


def _final(outV, outZ, x, Ow, Ob, g1, b1, g2, b2):
    bn = 80
    grid = N // bn
    half = NP // bn
    row = pl.BlockSpec((bn, D), lambda i: (i, 0))
    row1 = pl.BlockSpec((bn, D), lambda i: (i + half, 0))
    w_spec = pl.BlockSpec((D, D), lambda i: (0, 0))
    b_spec = pl.BlockSpec((1, D), lambda i: (0, 0))
    return pl.pallas_call(
        _final_body,
        grid=(grid,),
        in_specs=[row, row1, row, row1, row,
                  w_spec, b_spec, b_spec, b_spec, b_spec, b_spec],
        out_specs=row,
        out_shape=jax.ShapeDtypeStruct((N, D), _f32),
    )(outV, outV, outZ, outZ, x, Ow, Ob, g1, b1, g2, b2)


def kernel(x, edge_index, Wq, bq, Wk, bk, Wv, bv, Ow, Ob,
           ln1_g, ln1_b, ln2_g, ln2_b):
    src = edge_index[0].astype(jnp.int32)
    dst = edge_index[1].astype(jnp.int32)
    bq2, bk2, bv2, ob2 = (b.reshape(1, D) for b in (bq, bk, bv, Ob))
    g1, b1, g2, b2 = (b.reshape(1, D) for b in (ln1_g, ln1_b, ln2_g, ln2_b))
    zeros = jnp.zeros((NP, D), _f32)

    Q, KV = _qkv(x, Wq, bq2, Wk, bk2, Wv, bv2)
    kvsrc, qdst = _sc_gather(Q, KV, src, dst)
    msgV, srep = _msg(kvsrc, qdst)
    outV = _sc_scatter(msgV, dst, zeros)
    outZ = _sc_scatter(srep, dst, zeros)
    return _final(outV, outZ, x, Ow, ob2, g1, b1, g2, b2)

# --- scband reference (transcript-rebuilt; emitter-appended) ---
"""Pipeline reference for scband-graph-transformer-layer-69398081569511 (READ-ONLY COPY).

The authoritative reference and input builder live on the scoring server;
editing this copy changes nothing except your own understanding.
"""

import jax, jax.numpy as jnp
import numpy as np

N = 10000
E = 320000
D = 128
H = 8
DH = D // H


def _layernorm(h, g, b):
    m = h.mean(-1, keepdims=True)
    v = ((h - m) ** 2).mean(-1, keepdims=True)
    return (h - m) / jnp.sqrt(v + 1e-5) * g + b


def setup_inputs(seed: int = 0) -> dict:
    key = jax.random.key(seed)
    ks = jax.random.split(key, 16)
    scale = 0.05
    x = jax.random.normal(ks[0], (N, D), dtype=jnp.float32)
    edge_index = jax.random.randint(ks[1], (2, E), 0, N)
    Wq = jax.random.normal(ks[2], (D, D), dtype=jnp.float32) * scale
    bq = jnp.zeros((D,), dtype=jnp.float32)
    Wk = jax.random.normal(ks[3], (D, D), dtype=jnp.float32) * scale
    bk = jnp.zeros((D,), dtype=jnp.float32)
    Wv = jax.random.normal(ks[4], (D, D), dtype=jnp.float32) * scale
    bv = jnp.zeros((D,), dtype=jnp.float32)
    Ow = jax.random.normal(ks[5], (D, D), dtype=jnp.float32) * scale
    Ob = jnp.zeros((D,), dtype=jnp.float32)
    ln1_g = jnp.ones((D,), dtype=jnp.float32)
    ln1_b = jnp.zeros((D,), dtype=jnp.float32)
    ln2_g = jnp.ones((D,), dtype=jnp.float32)
    ln2_b = jnp.zeros((D,), dtype=jnp.float32)
    return {"x": x, "edge_index": edge_index, "Wq": Wq, "bq": bq, "Wk": Wk, "bk": bk,
            "Wv": Wv, "bv": bv, "Ow": Ow, "Ob": Ob,
            "ln1_g": ln1_g, "ln1_b": ln1_b, "ln2_g": ln2_g, "ln2_b": ln2_b}


def reference(x, edge_index, Wq, bq, Wk, bk, Wv, bv, Ow, Ob, ln1_g, ln1_b, ln2_g, ln2_b):
    src = edge_index[0]
    dst = edge_index[1]
    Q = (x @ Wq + bq).reshape(N, H, DH)
    K = (x @ Wk + bk).reshape(N, H, DH)
    V = (x @ Wv + bv).reshape(N, H, DH)
    # edge scores: (K[src] * Q[dst]).sum(-1), scaled exp with clamp
    score = (K[src] * Q[dst]).sum(-1, keepdims=True)  # [E, H, 1]
    score = jnp.exp(jnp.clip(score / np.sqrt(DH), -5.0, 5.0))
    # weighted message aggregation (sum over incoming edges at dst)
    wV = jax.ops.segment_sum(V[src] * score, dst, num_segments=N)  # [N, H, DH]
    z = jax.ops.segment_sum(score, dst, num_segments=N)  # [N, H, 1]
    attn_out = (wV / (z + 0.001)).reshape(N, D)
    h = x + attn_out  # dropout=0.0
    h = _layernorm(h, ln1_g, ln1_b)
    # sublayer wrapper: h + relu(O(norm(h)))
    h2 = _layernorm(h, ln2_g, ln2_b)
    h = h + jax.nn.relu(h2 @ Ow + Ob)
    return h

if __name__ == "__main__":
    import jax
    _d = setup_inputs()
    print(jax.jit(kernel)(*tuple(_d.values())))

</pallas_src>

<mosaic_0001>
#map = affine_map<(d0, d1) -> (0, 0)>
#map1 = affine_map<(d0, d1) -> (0)>
module attributes {stable_mosaic.version = 14 : i64} {
  func.func @_scatter_body(%arg0: i32, %arg1: i32, %arg2: memref<320000x128xf32, #tpu.memory_space<hbm>>, %arg3: memref<320000xi32, #tpu.memory_space<hbm>>, %arg4: memref<10240x128xf32, #tpu.memory_space<hbm>>, %arg5: memref<20480x128xf32, #tpu.memory_space<hbm>>, %arg6: memref<80xi32, #tpu.memory_space<vmem>>, %arg7: memref<80xi32, #tpu.memory_space<vmem>>, %arg8: memref<80x128xf32, #tpu.memory_space<vmem>>, %arg9: memref<80x128xf32, #tpu.memory_space<vmem>>, %arg10: memref<10240x128xf32, #tpu.memory_space<vmem_shared>>, %arg11: memref<!tpu.dma_semaphore, #tpu.memory_space<semaphore_mem>>, %arg12: memref<!tpu.dma_semaphore, #tpu.memory_space<semaphore_mem>>) attributes {dimension_semantics = [#tpu.dimension_semantics<core_parallel>, #tpu.dimension_semantics<subcore_parallel>], iteration_bounds = array<i64: 2, 16>, scalar_prefetch = 0 : i64, scratch_operands = 7 : i64, tpu.core_type = #tpu.core_type<sc_vector_subcore>, window_params = [{transform_indices = #map}, {transform_indices = #map1}, {transform_indices = #map}, {transform_indices = #map}]} {
    %mul3A = arith.constant 2 : i32
    %mul3A_0 = arith.muli %arg1, %mul3A : i32
    %add3A = arith.addi %mul3A_0, %arg0 : i32
    %mul3A_1 = arith.constant 640 : i32
    %mul3A_2 = arith.muli %arg1, %mul3A_1 : i32
    %multiple_of3A = tpu.assume_multiple %mul3A_2, 8 : i32
    "tpu.region"() ({
      %run_scoped3A = tpu.sem_alloc : memref<!tpu.dma_semaphore, #tpu.memory_space<semaphore_mem>>
      %dma_start3A_21 = arith.constant 0 : i32
      %dma_start3A_22 = tpu.memref_slice %arg10[%multiple_of3A, %dma_start3A_21] : memref<10240x128xf32, #tpu.memory_space<vmem_shared>> -> memref<640x128xf32, #tpu.memory_space<vmem_shared>>
      %dma_start3A_23 = arith.constant 0 : i32
      %dma_start3A_24 = tpu.memref_slice %arg4[%multiple_of3A, %dma_start3A_23] : memref<10240x128xf32, #tpu.memory_space<hbm>> -> memref<640x128xf32, #tpu.memory_space<hbm>>
      tpu.enqueue_dma source(%dma_start3A_24 : memref<640x128xf32, #tpu.memory_space<hbm>>) target(%dma_start3A_22 : memref<640x128xf32, #tpu.memory_space<vmem_shared>>) target_semaphore(%run_scoped3A : memref<!tpu.dma_semaphore, #tpu.memory_space<semaphore_mem>>)
      %dma_wait3A = arith.constant 0 : i32
      %dma_wait3A_25 = tpu.memref_slice %arg10[%multiple_of3A, %dma_wait3A] : memref<10240x128xf32, #tpu.memory_space<vmem_shared>> -> memref<640x128xf32, #tpu.memory_space<vmem_shared>>
      %dma_wait3A_26 = arith.constant 0 : i32
      %dma_wait3A_27 = tpu.memref_slice %arg4[%multiple_of3A, %dma_wait3A_26] : memref<10240x128xf32, #tpu.memory_space<hbm>> -> memref<640x128xf32, #tpu.memory_space<hbm>>
      tpu.wait_dma2 semaphore(%run_scoped3A : memref<!tpu.dma_semaphore, #tpu.memory_space<semaphore_mem>>) src(%dma_wait3A_27 : memref<640x128xf32, #tpu.memory_space<hbm>>) dst(%dma_wait3A_25 : memref<640x128xf32, #tpu.memory_space<vmem_shared>>)
      tpu.yield
    }) : () -> ()
    %barrier3A = arith.constant 0 : index
    tpu.barrier barrier_id(%barrier3A)
    %mul3A_3 = arith.constant 10000 : i32
    %mul3A_4 = arith.muli %add3A, %mul3A_3 : i32
    %dma_start3A = tpu.memref_slice %arg3[%mul3A_4] : memref<320000xi32, #tpu.memory_space<hbm>> -> memref<80xi32, #tpu.memory_space<hbm>>
    %dma_start3A_5 = tpu.memref_slice %arg3[%mul3A_4] : memref<320000xi32, #tpu.memory_space<hbm>> -> memref<80xi32, #tpu.memory_space<hbm>>
    tpu.enqueue_dma source(%dma_start3A_5 : memref<80xi32, #tpu.memory_space<hbm>>) target(%arg6 : memref<80xi32, #tpu.memory_space<vmem>>) target_semaphore(%arg11 : memref<!tpu.dma_semaphore, #tpu.memory_space<semaphore_mem>>)
    %dma_start3A_6 = arith.constant 0 : i32
    %dma_start3A_7 = tpu.memref_slice %arg2[%mul3A_4, %dma_start3A_6] : memref<320000x128xf32, #tpu.memory_space<hbm>> -> memref<80x128xf32, #tpu.memory_space<hbm>>
    %dma_start3A_8 = arith.constant 0 : i32
    %dma_start3A_9 = tpu.memref_slice %arg2[%mul3A_4, %dma_start3A_8] : memref<320000x128xf32, #tpu.memory_space<hbm>> -> memref<80x128xf32, #tpu.memory_space<hbm>>
    tpu.enqueue_dma source(%dma_start3A_9 : memref<80x128xf32, #tpu.memory_space<hbm>>) target(%arg8 : memref<80x128xf32, #tpu.memory_space<vmem>>) target_semaphore(%arg11 : memref<!tpu.dma_semaphore, #tpu.memory_space<semaphore_mem>>)
    %scan3A = arith.constant 0 : i32
    %scan3A_10 = arith.constant 0 : i32
    %scan3A_11 = arith.constant 125 : i32
    %scan3A_12 = arith.addi %scan3A_10, %scan3A_11 : i32
    %scan3A_13 = arith.constant 1 : i32
    %scan3A_14 = scf.for %scan3A_21 = %scan3A_10 to %scan3A_12 step %scan3A_13 iter_args(%scan3A_22 = %scan3A) -> (i32)  : i32 {
      %and3A = arith.constant 1 : i32
      %and3A_23 = arith.andi %scan3A_21, %and3A : i32
      %eq3A = arith.constant 0 : i32
      %eq3A_24 = arith.cmpi eq, %and3A_23, %eq3A : i32
      %convert_element_type3A = arith.extui %eq3A_24 : i1 to i32
      %cond3A = arith.constant 0 : i32
      %cond3A_25 = arith.cmpi ne, %convert_element_type3A, %cond3A : i32
      scf.if %cond3A_25 {
        %dma_wait3A = tpu.memref_slice %arg3[%mul3A_4] : memref<320000xi32, #tpu.memory_space<hbm>> -> memref<80xi32, #tpu.memory_space<hbm>>
        %dma_wait3A_34 = tpu.memref_slice %arg3[%mul3A_4] : memref<320000xi32, #tpu.memory_space<hbm>> -> memref<80xi32, #tpu.memory_space<hbm>>
        tpu.wait_dma2 semaphore(%arg11 : memref<!tpu.dma_semaphore, #tpu.memory_space<semaphore_mem>>) src(%dma_wait3A_34 : memref<80xi32, #tpu.memory_space<hbm>>) dst(%arg6 : memref<80xi32, #tpu.memory_space<vmem>>)
        %dma_wait3A_35 = arith.constant 0 : i32
        %dma_wait3A_36 = tpu.memref_slice %arg2[%mul3A_4, %dma_wait3A_35] : memref<320000x128xf32, #tpu.memory_space<hbm>> -> memref<80x128xf32, #tpu.memory_space<hbm>>
        %dma_wait3A_37 = arith.constant 0 : i32
        %dma_wait3A_38 = tpu.memref_slice %arg2[%mul3A_4, %dma_wait3A_37] : memref<320000x128xf32, #tpu.memory_space<hbm>> -> memref<80x128xf32, #tpu.memory_space<hbm>>
        tpu.wait_dma2 semaphore(%arg11 : memref<!tpu.dma_semaphore, #tpu.memory_space<semaphore_mem>>) src(%dma_wait3A_38 : memref<80x128xf32, #tpu.memory_space<hbm>>) dst(%arg8 : memref<80x128xf32, #tpu.memory_space<vmem>>)
        %add3A_39 = arith.constant 1 : i32
        %add3A_40 = arith.addi %scan3A_21, %add3A_39 : i32
        %lt3A = arith.constant 125 : i32
        %lt3A_41 = arith.cmpi slt, %add3A_40, %lt3A : i32
        %convert_element_type3A_42 = arith.extui %lt3A_41 : i1 to i32
        %cond3A_43 = arith.constant 0 : i32
        %cond3A_44 = arith.cmpi ne, %convert_element_type3A_42, %cond3A_43 : i32
        scf.if %cond3A_44 {
          %add3A_45 = arith.constant 1 : i32
          %add3A_46 = arith.addi %scan3A_21, %add3A_45 : i32
          %mul3A_47 = arith.constant 80 : i32
          %mul3A_48 = arith.muli %add3A_46, %mul3A_47 : i32
          %add3A_49 = arith.addi %mul3A_4, %mul3A_48 : i32
          %multiple_of3A_50 = tpu.assume_multiple %add3A_49, 8 : i32
          %dma_start3A_51 = tpu.memref_slice %arg3[%multiple_of3A_50] : memref<320000xi32, #tpu.memory_space<hbm>> -> memref<80xi32, #tpu.memory_space<hbm>>
          %dma_start3A_52 = tpu.memref_slice %arg3[%multiple_of3A_50] : memref<320000xi32, #tpu.memory_space<hbm>> -> memref<80xi32, #tpu.memory_space<hbm>>
          tpu.enqueue_dma source(%dma_start3A_52 : memref<80xi32, #tpu.memory_space<hbm>>) target(%arg7 : memref<80xi32, #tpu.memory_space<vmem>>) target_semaphore(%arg12 : memref<!tpu.dma_semaphore, #tpu.memory_space<semaphore_mem>>)
          %dma_start3A_53 = arith.constant 0 : i32
          %dma_start3A_54 = tpu.memref_slice %arg2[%multiple_of3A_50, %dma_start3A_53] : memref<320000x128xf32, #tpu.memory_space<hbm>> -> memref<80x128xf32, #tpu.memory_space<hbm>>
          %dma_start3A_55 = arith.constant 0 : i32
          %dma_start3A_56 = tpu.memref_slice %arg2[%multiple_of3A_50, %dma_start3A_55] : memref<320000x128xf32, #tpu.memory_space<hbm>> -> memref<80x128xf32, #tpu.memory_space<hbm>>
          tpu.enqueue_dma source(%dma_start3A_56 : memref<80x128xf32, #tpu.memory_space<hbm>>) target(%arg9 : memref<80x128xf32, #tpu.memory_space<vmem>>) target_semaphore(%arg12 : memref<!tpu.dma_semaphore, #tpu.memory_space<semaphore_mem>>)
        } else {
        }
        "tpu.region"() ({
          %run_scoped3A = tpu.sem_alloc : memref<!tpu.dma_semaphore, #tpu.memory_space<semaphore_mem>>
          %dma_start3A_45 = arith.constant 0 : i32
          %dma_start3A_46 = arith.constant 0 : i32
          %dma_start3A_47 = tpu.memref_slice %arg10[%dma_start3A_45, %dma_start3A_46] : memref<10240x128xf32, #tpu.memory_space<vmem_shared>> -> memref<10240x128xf32, #tpu.memory_space<vmem_shared>>
          tpu.enqueue_indirect_dma source(%arg8 : memref<80x128xf32, #tpu.memory_space<vmem>>) target(%dma_start3A_47 : memref<10240x128xf32, #tpu.memory_space<vmem_shared>>) offsets(%arg6 : memref<80xi32, #tpu.memory_space<vmem>>) semaphore(%run_scoped3A : memref<!tpu.dma_semaphore, #tpu.memory_space<semaphore_mem>>) {add = true}
          %dma_wait3A_48 = arith.constant 0 : i32
          %dma_wait3A_49 = arith.constant 0 : i32
          %dma_wait3A_50 = tpu.memref_slice %arg10[%dma_wait3A_48, %dma_wait3A_49] : memref<10240x128xf32, #tpu.memory_space<vmem_shared>> -> memref<10240x128xf32, #tpu.memory_space<vmem_shared>>
          tpu.wait_indirect_dma semaphore(%run_scoped3A : memref<!tpu.dma_semaphore, #tpu.memory_space<semaphore_mem>>) src(%arg8 : memref<80x128xf32, #tpu.memory_space<vmem>>) dst(%dma_wait3A_50 : memref<10240x128xf32, #tpu.memory_space<vmem_shared>>)
          tpu.yield
        }) : () -> ()
      } else {
      }
      %and3A_26 = arith.constant 1 : i32
      %and3A_27 = arith.andi %scan3A_21, %and3A_26 : i32
      %eq3A_28 = arith.constant 1 : i32
      %eq3A_29 = arith.cmpi eq, %and3A_27, %eq3A_28 : i32
      %convert_element_type3A_30 = arith.extui %eq3A_29 : i1 to i32
      %cond3A_31 = arith.constant 0 : i32
      %cond3A_32 = arith.cmpi ne, %convert_element_type3A_30, %cond3A_31 : i32
      scf.if %cond3A_32 {
        %dma_wait3A = tpu.memref_slice %arg3[%mul3A_4] : memref<320000xi32, #tpu.memory_space<hbm>> -> memref<80xi32, #tpu.memory_space<hbm>>
        %dma_wait3A_34 = tpu.memref_slice %arg3[%mul3A_4] : memref<320000xi32, #tpu.memory_space<hbm>> -> memref<80xi32, #tpu.memory_space<hbm>>
        tpu.wait_dma2 semaphore(%arg12 : memref<!tpu.dma_semaphore, #tpu.memory_space<semaphore_mem>>) src(%dma_wait3A_34 : memref<80xi32, #tpu.memory_space<hbm>>) dst(%arg7 : memref<80xi32, #tpu.memory_space<vmem>>)
        %dma_wait3A_35 = arith.constant 0 : i32
        %dma_wait3A_36 = tpu.memref_slice %arg2[%mul3A_4, %dma_wait3A_35] : memref<320000x128xf32, #tpu.memory_space<hbm>> -> memref<80x128xf32, #tpu.memory_space<hbm>>
        %dma_wait3A_37 = arith.constant 0 : i32
        %dma_wait3A_38 = tpu.memref_slice %arg2[%mul3A_4, %dma_wait3A_37] : memref<320000x128xf32, #tpu.memory_space<hbm>> -> memref<80x128xf32, #tpu.memory_space<hbm>>
        tpu.wait_dma2 semaphore(%arg12 : memref<!tpu.dma_semaphore, #tpu.memory_space<semaphore_mem>>) src(%dma_wait3A_38 : memref<80x128xf32, #tpu.memory_space<hbm>>) dst(%arg9 : memref<80x128xf32, #tpu.memory_space<vmem>>)
        %add3A_39 = arith.constant 1 : i32
        %add3A_40 = arith.addi %scan3A_21, %add3A_39 : i32
        %lt3A = arith.constant 125 : i32
        %lt3A_41 = arith.cmpi slt, %add3A_40, %lt3A : i32
        %convert_element_type3A_42 = arith.extui %lt3A_41 : i1 to i32
        %cond3A_43 = arith.constant 0 : i32
        %cond3A_44 = arith.cmpi ne, %convert_element_type3A_42, %cond3A_43 : i32
        scf.if %cond3A_44 {
          %add3A_45 = arith.constant 1 : i32
          %add3A_46 = arith.addi %scan3A_21, %add3A_45 : i32
          %mul3A_47 = arith.constant 80 : i32
          %mul3A_48 = arith.muli %add3A_46, %mul3A_47 : i32
          %add3A_49 = arith.addi %mul3A_4, %mul3A_48 : i32
          %multiple_of3A_50 = tpu.assume_multiple %add3A_49, 8 : i32
          %dma_start3A_51 = tpu.memref_slice %arg3[%multiple_of3A_50] : memref<320000xi32, #tpu.memory_space<hbm>> -> memref<80xi32, #tpu.memory_space<hbm>>
          %dma_start3A_52 = tpu.memref_slice %arg3[%multiple_of3A_50] : memref<320000xi32, #tpu.memory_space<hbm>> -> memref<80xi32, #tpu.memory_space<hbm>>
          tpu.enqueue_dma source(%dma_start3A_52 : memref<80xi32, #tpu.memory_space<hbm>>) target(%arg6 : memref<80xi32, #tpu.memory_space<vmem>>) target_semaphore(%arg11 : memref<!tpu.dma_semaphore, #tpu.memory_space<semaphore_mem>>)
          %dma_start3A_53 = arith.constant 0 : i32
          %dma_start3A_54 = tpu.memref_slice %arg2[%multiple_of3A_50, %dma_start3A_53] : memref<320000x128xf32, #tpu.memory_space<hbm>> -> memref<80x128xf32, #tpu.memory_space<hbm>>
          %dma_start3A_55 = arith.constant 0 : i32
          %dma_start3A_56 = tpu.memref_slice %arg2[%multiple_of3A_50, %dma_start3A_55] : memref<320000x128xf32, #tpu.memory_space<hbm>> -> memref<80x128xf32, #tpu.memory_space<hbm>>
          tpu.enqueue_dma source(%dma_start3A_56 : memref<80x128xf32, #tpu.memory_space<hbm>>) target(%arg8 : memref<80x128xf32, #tpu.memory_space<vmem>>) target_semaphore(%arg11 : memref<!tpu.dma_semaphore, #tpu.memory_space<semaphore_mem>>)
        } else {
        }
        "tpu.region"() ({
          %run_scoped3A = tpu.sem_alloc : memref<!tpu.dma_semaphore, #tpu.memory_space<semaphore_mem>>
          %dma_start3A_45 = arith.constant 0 : i32
          %dma_start3A_46 = arith.constant 0 : i32
          %dma_start3A_47 = tpu.memref_slice %arg10[%dma_start3A_45, %dma_start3A_46] : memref<10240x128xf32, #tpu.memory_space<vmem_shared>> -> memref<10240x128xf32, #tpu.memory_space<vmem_shared>>
          tpu.enqueue_indirect_dma source(%arg9 : memref<80x128xf32, #tpu.memory_space<vmem>>) target(%dma_start3A_47 : memref<10240x128xf32, #tpu.memory_space<vmem_shared>>) offsets(%arg7 : memref<80xi32, #tpu.memory_space<vmem>>) semaphore(%run_scoped3A : memref<!tpu.dma_semaphore, #tpu.memory_space<semaphore_mem>>) {add = true}
          %dma_wait3A_48 = arith.constant 0 : i32
          %dma_wait3A_49 = arith.constant 0 : i32
          %dma_wait3A_50 = tpu.memref_slice %arg10[%dma_wait3A_48, %dma_wait3A_49] : memref<10240x128xf32, #tpu.memory_space<vmem_shared>> -> memref<10240x128xf32, #tpu.memory_space<vmem_shared>>
          tpu.wait_indirect_dma semaphore(%run_scoped3A : memref<!tpu.dma_semaphore, #tpu.memory_space<semaphore_mem>>) src(%arg9 : memref<80x128xf32, #tpu.memory_space<vmem>>) dst(%dma_wait3A_50 : memref<10240x128xf32, #tpu.memory_space<vmem_shared>>)
          tpu.yield
        }) : () -> ()
      } else {
      }
      %scan3A_33 = arith.constant 0 : i32
      scf.yield %scan3A_33 : i32
    }
    %scan3A_15 = arith.constant 125 : i32
    %barrier3A_16 = arith.constant 0 : index
    tpu.barrier barrier_id(%barrier3A_16)
    %mul3A_17 = arith.constant 10240 : i32
    %mul3A_18 = arith.muli %arg0, %mul3A_17 : i32
    %add3A_19 = arith.addi %mul3A_18, %multiple_of3A : i32
    %multiple_of3A_20 = tpu.assume_multiple %add3A_19, 8 : i32
    "tpu.region"() ({
      %run_scoped3A = tpu.sem_alloc : memref<!tpu.dma_semaphore, #tpu.memory_space<semaphore_mem>>
      %dma_start3A_21 = arith.constant 0 : i32
      %dma_start3A_22 = tpu.memref_slice %arg5[%multiple_of3A_20, %dma_start3A_21] : memref<20480x128xf32, #tpu.memory_space<hbm>> -> memref<640x128xf32, #tpu.memory_space<hbm>>
      %dma_start3A_23 = arith.constant 0 : i32
      %dma_start3A_24 = tpu.memref_slice %arg10[%multiple_of3A, %dma_start3A_23] : memref<10240x128xf32, #tpu.memory_space<vmem_shared>> -> memref<640x128xf32, #tpu.memory_space<vmem_shared>>
      tpu.enqueue_dma source(%dma_start3A_24 : memref<640x128xf32, #tpu.memory_space<vmem_shared>>) target(%dma_start3A_22 : memref<640x128xf32, #tpu.memory_space<hbm>>) target_semaphore(%run_scoped3A : memref<!tpu.dma_semaphore, #tpu.memory_space<semaphore_mem>>)
      %dma_wait3A = arith.constant 0 : i32
      %dma_wait3A_25 = tpu.memref_slice %arg5[%multiple_of3A_20, %dma_wait3A] : memref<20480x128xf32, #tpu.memory_space<hbm>> -> memref<640x128xf32, #tpu.memory_space<hbm>>
      %dma_wait3A_26 = arith.constant 0 : i32
      %dma_wait3A_27 = tpu.memref_slice %arg10[%multiple_of3A, %dma_wait3A_26] : memref<10240x128xf32, #tpu.memory_space<vmem_shared>> -> memref<640x128xf32, #tpu.memory_space<vmem_shared>>
      tpu.wait_dma2 semaphore(%run_scoped3A : memref<!tpu.dma_semaphore, #tpu.memory_space<semaphore_mem>>) src(%dma_wait3A_27 : memref<640x128xf32, #tpu.memory_space<vmem_shared>>) dst(%dma_wait3A_25 : memref<640x128xf32, #tpu.memory_space<hbm>>)
      tpu.yield
    }) : () -> ()
    return
  }
}

#map = affine_map<(d0, d1) -> (0, 0)>
#map1 = affine_map<(d0, d1) -> (0)>
module attributes {stable_mosaic.version = 14 : i64} {
  func.func @_gather_body(%arg0: i32, %arg1: i32, %arg2: memref<10000x128xf32, #tpu.memory_space<hbm>>, %arg3: memref<10000x128xi32, #tpu.memory_space<hbm>>, %arg4: memref<320000xi32, #tpu.memory_space<hbm>>, %arg5: memref<320000xi32, #tpu.memory_space<hbm>>, %arg6: memref<320000x128xi32, #tpu.memory_space<hbm>>, %arg7: memref<320000x128xf32, #tpu.memory_space<hbm>>, %arg8: memref<80xi32, #tpu.memory_space<vmem>>, %arg9: memref<80xi32, #tpu.memory_space<vmem>>, %arg10: memref<80xi32, #tpu.memory_space<vmem>>, %arg11: memref<80xi32, #tpu.memory_space<vmem>>, %arg12: memref<80x128xi32, #tpu.memory_space<vmem>>, %arg13: memref<80x128xi32, #tpu.memory_space<vmem>>, %arg14: memref<80x128xf32, #tpu.memory_space<vmem>>, %arg15: memref<80x128xf32, #tpu.memory_space<vmem>>, %arg16: memref<!tpu.dma_semaphore, #tpu.memory_space<semaphore_mem>>, %arg17: memref<!tpu.dma_semaphore, #tpu.memory_space<semaphore_mem>>, %arg18: memref<!tpu.dma_semaphore, #tpu.memory_space<semaphore_mem>>, %arg19: memref<!tpu.dma_semaphore, #tpu.memory_space<semaphore_mem>>, %arg20: memref<!tpu.dma_semaphore, #tpu.memory_space<semaphore_mem>>, %arg21: memref<!tpu.dma_semaphore, #tpu.memory_space<semaphore_mem>>) attributes {dimension_semantics = [#tpu.dimension_semantics<core_parallel>, #tpu.dimension_semantics<subcore_parallel>], iteration_bounds = array<i64: 2, 16>, scalar_prefetch = 0 : i64, scratch_operands = 14 : i64, tpu.core_type = #tpu.core_type<sc_vector_subcore>, window_params = [{transform_indices = #map}, {transform_indices = #map}, {transform_indices = #map1}, {transform_indices = #map1}, {transform_indices = #map}, {transform_indices = #map}]} {
    %mul3A = arith.constant 2 : i32
    %mul3A_0 = arith.muli %arg1, %mul3A : i32
    %add3A = arith.addi %mul3A_0, %arg0 : i32
    %mul3A_1 = arith.constant 10000 : i32
    %mul3A_2 = arith.muli %add3A, %mul3A_1 : i32
    %dma_start3A = tpu.memref_slice %arg4[%mul3A_2] : memref<320000xi32, #tpu.memory_space<hbm>> -> memref<80xi32, #tpu.memory_space<hbm>>
    %dma_start3A_3 = tpu.memref_slice %arg4[%mul3A_2] : memref<320000xi32, #tpu.memory_space<hbm>> -> memref<80xi32, #tpu.memory_space<hbm>>
    tpu.enqueue_dma source(%dma_start3A_3 : memref<80xi32, #tpu.memory_space<hbm>>) target(%arg8 : memref<80xi32, #tpu.memory_space<vmem>>) target_semaphore(%arg16 : memref<!tpu.dma_semaphore, #tpu.memory_space<semaphore_mem>>)
    %dma_start3A_4 = tpu.memref_slice %arg5[%mul3A_2] : memref<320000xi32, #tpu.memory_space<hbm>> -> memref<80xi32, #tpu.memory_space<hbm>>
    %dma_start3A_5 = tpu.memref_slice %arg5[%mul3A_2] : memref<320000xi32, #tpu.memory_space<hbm>> -> memref<80xi32, #tpu.memory_space<hbm>>
    tpu.enqueue_dma source(%dma_start3A_5 : memref<80xi32, #tpu.memory_space<hbm>>) target(%arg10 : memref<80xi32, #tpu.memory_space<vmem>>) target_semaphore(%arg16 : memref<!tpu.dma_semaphore, #tpu.memory_space<semaphore_mem>>)
    %scan3A = arith.constant 0 : i32
    %scan3A_6 = arith.constant 0 : i32
    %scan3A_7 = arith.constant 125 : i32
    %scan3A_8 = arith.addi %scan3A_6, %scan3A_7 : i32
    %scan3A_9 = arith.constant 1 : i32
    %scan3A_10 = scf.for %scan3A_27 = %scan3A_6 to %scan3A_8 step %scan3A_9 iter_args(%scan3A_28 = %scan3A) -> (i32)  : i32 {
      %and3A = arith.constant 1 : i32
      %and3A_29 = arith.andi %scan3A_27, %and3A : i32
      %eq3A = arith.constant 0 : i32
      %eq3A_30 = arith.cmpi eq, %and3A_29, %eq3A : i32
      %convert_element_type3A = arith.extui %eq3A_30 : i1 to i32
      %cond3A = arith.constant 0 : i32
      %cond3A_31 = arith.cmpi ne, %convert_element_type3A, %cond3A : i32
      scf.if %cond3A_31 {
        %mul3A_40 = arith.constant 80 : i32
        %mul3A_41 = arith.muli %scan3A_27, %mul3A_40 : i32
        %add3A_42 = arith.addi %mul3A_2, %mul3A_41 : i32
        %multiple_of3A = tpu.assume_multiple %add3A_42, 8 : i32
        %ge3A = arith.constant 2 : i32
        %ge3A_43 = arith.cmpi sge, %scan3A_27, %ge3A : i32
        %convert_element_type3A_44 = arith.extui %ge3A_43 : i1 to i32
        %cond3A_45 = arith.constant 0 : i32
        %cond3A_46 = arith.cmpi ne, %convert_element_type3A_44, %cond3A_45 : i32
        scf.if %cond3A_46 {
          %dma_wait3A_77 = arith.constant 0 : i32
          %dma_wait3A_78 = tpu.memref_slice %arg6[%mul3A_2, %dma_wait3A_77] : memref<320000x128xi32, #tpu.memory_space<hbm>> -> memref<80x128xi32, #tpu.memory_space<hbm>>
          %dma_wait3A_79 = arith.constant 0 : i32
          %dma_wait3A_80 = tpu.memref_slice %arg6[%mul3A_2, %dma_wait3A_79] : memref<320000x128xi32, #tpu.memory_space<hbm>> -> memref<80x128xi32, #tpu.memory_space<hbm>>
          tpu.wait_dma2 semaphore(%arg20 : memref<!tpu.dma_semaphore, #tpu.memory_space<semaphore_mem>>) src(%arg12 : memref<80x128xi32, #tpu.memory_space<vmem>>) dst(%dma_wait3A_80 : memref<80x128xi32, #tpu.memory_space<hbm>>)
          %dma_wait3A_81 = arith.constant 0 : i32
          %dma_wait3A_82 = tpu.memref_slice %arg7[%mul3A_2, %dma_wait3A_81] : memref<320000x128xf32, #tpu.memory_space<hbm>> -> memref<80x128xf32, #tpu.memory_space<hbm>>
          %dma_wait3A_83 = arith.constant 0 : i32
          %dma_wait3A_84 = tpu.memref_slice %arg7[%mul3A_2, %dma_wait3A_83] : memref<320000x128xf32, #tpu.memory_space<hbm>> -> memref<80x128xf32, #tpu.memory_space<hbm>>
          tpu.wait_dma2 semaphore(%arg20 : memref<!tpu.dma_semaphore, #tpu.memory_space<semaphore_mem>>) src(%arg14 : memref<80x128xf32, #tpu.memory_space<vmem>>) dst(%dma_wait3A_84 : memref<80x128xf32, #tpu.memory_space<hbm>>)
        } else {
        }
        %dma_wait3A_47 = tpu.memref_slice %arg4[%mul3A_2] : memref<320000xi32, #tpu.memory_space<hbm>> -> memref<80xi32, #tpu.memory_space<hbm>>
        %dma_wait3A_48 = tpu.memref_slice %arg4[%mul3A_2] : memref<320000xi32, #tpu.memory_space<hbm>> -> memref<80xi32, #tpu.memory_space<hbm>>
        tpu.wait_dma2 semaphore(%arg16 : memref<!tpu.dma_semaphore, #tpu.memory_space<semaphore_mem>>) src(%dma_wait3A_48 : memref<80xi32, #tpu.memory_space<hbm>>) dst(%arg8 : memref<80xi32, #tpu.memory_space<vmem>>)
        %dma_wait3A_49 = tpu.memref_slice %arg5[%mul3A_2] : memref<320000xi32, #tpu.memory_space<hbm>> -> memref<80xi32, #tpu.memory_space<hbm>>
        %dma_wait3A_50 = tpu.memref_slice %arg5[%mul3A_2] : memref<320000xi32, #tpu.memory_space<hbm>> -> memref<80xi32, #tpu.memory_space<hbm>>
        tpu.wait_dma2 semaphore(%arg16 : memref<!tpu.dma_semaphore, #tpu.memory_space<semaphore_mem>>) src(%dma_wait3A_50 : memref<80xi32, #tpu.memory_space<hbm>>) dst(%arg10 : memref<80xi32, #tpu.memory_space<vmem>>)
        %dma_start3A_51 = arith.constant 0 : i32
        %dma_start3A_52 = arith.constant 0 : i32
        %dma_start3A_53 = tpu.memref_slice %arg3[%dma_start3A_51, %dma_start3A_52] : memref<10000x128xi32, #tpu.memory_space<hbm>> -> memref<10000x128xi32, #tpu.memory_space<hbm>>
        tpu.enqueue_indirect_dma source(%dma_start3A_53 : memref<10000x128xi32, #tpu.memory_space<hbm>>) target(%arg12 : memref<80x128xi32, #tpu.memory_space<vmem>>) offsets(%arg8 : memref<80xi32, #tpu.memory_space<vmem>>) semaphore(%arg18 : memref<!tpu.dma_semaphore, #tpu.memory_space<semaphore_mem>>)
        %dma_start3A_54 = arith.constant 0 : i32
        %dma_start3A_55 = arith.constant 0 : i32
        %dma_start3A_56 = tpu.memref_slice %arg2[%dma_start3A_54, %dma_start3A_55] : memref<10000x128xf32, #tpu.memory_space<hbm>> -> memref<10000x128xf32, #tpu.memory_space<hbm>>
        tpu.enqueue_indirect_dma source(%dma_start3A_56 : memref<10000x128xf32, #tpu.memory_space<hbm>>) target(%arg14 : memref<80x128xf32, #tpu.memory_space<vmem>>) offsets(%arg10 : memref<80xi32, #tpu.memory_space<vmem>>) semaphore(%arg18 : memref<!tpu.dma_semaphore, #tpu.memory_space<semaphore_mem>>)
        %add3A_57 = arith.constant 1 : i32
        %add3A_58 = arith.addi %scan3A_27, %add3A_57 : i32
        %lt3A = arith.constant 125 : i32
        %lt3A_59 = arith.cmpi slt, %add3A_58, %lt3A : i32
        %convert_element_type3A_60 = arith.extui %lt3A_59 : i1 to i32
        %cond3A_61 = arith.constant 0 : i32
        %cond3A_62 = arith.cmpi ne, %convert_element_type3A_60, %cond3A_61 : i32
        scf.if %cond3A_62 {
          %add3A_77 = arith.constant 1 : i32
          %add3A_78 = arith.addi %scan3A_27, %add3A_77 : i32
          %mul3A_79 = arith.constant 80 : i32
          %mul3A_80 = arith.muli %add3A_78, %mul3A_79 : i32
          %add3A_81 = arith.addi %mul3A_2, %mul3A_80 : i32
          %multiple_of3A_82 = tpu.assume_multiple %add3A_81, 8 : i32
          %dma_start3A_83 = tpu.memref_slice %arg4[%multiple_of3A_82] : memref<320000xi32, #tpu.memory_space<hbm>> -> memref<80xi32, #tpu.memory_space<hbm>>
          %dma_start3A_84 = tpu.memref_slice %arg4[%multiple_of3A_82] : memref<320000xi32, #tpu.memory_space<hbm>> -> memref<80xi32, #tpu.memory_space<hbm>>
          tpu.enqueue_dma source(%dma_start3A_84 : memref<80xi32, #tpu.memory_space<hbm>>) target(%arg9 : memref<80xi32, #tpu.memory_space<vmem>>) target_semaphore(%arg17 : memref<!tpu.dma_semaphore, #tpu.memory_space<semaphore_mem>>)
          %dma_start3A_85 = tpu.memref_slice %arg5[%multiple_of3A_82] : memref<320000xi32, #tpu.memory_space<hbm>> -> memref<80xi32, #tpu.memory_space<hbm>>
          %dma_start3A_86 = tpu.memref_slice %arg5[%multiple_of3A_82] : memref<320000xi32, #tpu.memory_space<hbm>> -> memref<80xi32, #tpu.memory_space<hbm>>
          tpu.enqueue_dma source(%dma_start3A_86 : memref<80xi32, #tpu.memory_space<hbm>>) target(%arg11 : memref<80xi32, #tpu.memory_space<vmem>>) target_semaphore(%arg17 : memref<!tpu.dma_semaphore, #tpu.memory_space<semaphore_mem>>)
        } else {
        }
        %dma_wait3A_63 = arith.constant 0 : i32
        %dma_wait3A_64 = arith.constant 0 : i32
        %dma_wait3A_65 = tpu.memref_slice %arg3[%dma_wait3A_63, %dma_wait3A_64] : memref<10000x128xi32, #tpu.memory_space<hbm>> -> memref<10000x128xi32, #tpu.memory_space<hbm>>
        tpu.wait_indirect_dma semaphore(%arg18 : memref<!tpu.dma_semaphore, #tpu.memory_space<semaphore_mem>>) src(%dma_wait3A_65 : memref<10000x128xi32, #tpu.memory_space<hbm>>) dst(%arg12 : memref<80x128xi32, #tpu.memory_space<vmem>>)
        %dma_wait3A_66 = arith.constant 0 : i32
        %dma_wait3A_67 = arith.constant 0 : i32
        %dma_wait3A_68 = tpu.memref_slice %arg2[%dma_wait3A_66, %dma_wait3A_67] : memref<10000x128xf32, #tpu.memory_space<hbm>> -> memref<10000x128xf32, #tpu.memory_space<hbm>>
        tpu.wait_indirect_dma semaphore(%arg18 : memref<!tpu.dma_semaphore, #tpu.memory_space<semaphore_mem>>) src(%dma_wait3A_68 : memref<10000x128xf32, #tpu.memory_space<hbm>>) dst(%arg14 : memref<80x128xf32, #tpu.memory_space<vmem>>)
        %dma_start3A_69 = arith.constant 0 : i32
        %dma_start3A_70 = tpu.memref_slice %arg6[%multiple_of3A, %dma_start3A_69] : memref<320000x128xi32, #tpu.memory_space<hbm>> -> memref<80x128xi32, #tpu.memory_space<hbm>>
        %dma_start3A_71 = arith.constant 0 : i32
        %dma_start3A_72 = tpu.memref_slice %arg6[%multiple_of3A, %dma_start3A_71] : memref<320000x128xi32, #tpu.memory_space<hbm>> -> memref<80x128xi32, #tpu.memory_space<hbm>>
        tpu.enqueue_dma source(%arg12 : memref<80x128xi32, #tpu.memory_space<vmem>>) target(%dma_start3A_72 : memref<80x128xi32, #tpu.memory_space<hbm>>) target_semaphore(%arg20 : memref<!tpu.dma_semaphore, #tpu.memory_space<semaphore_mem>>)
        %dma_start3A_73 = arith.constant 0 : i32
        %dma_start3A_74 = tpu.memref_slice %arg7[%multiple_of3A, %dma_start3A_73] : memref<320000x128xf32, #tpu.memory_space<hbm>> -> memref<80x128xf32, #tpu.memory_space<hbm>>
        %dma_start3A_75 = arith.constant 0 : i32
        %dma_start3A_76 = tpu.memref_slice %arg7[%multiple_of3A, %dma_start3A_75] : memref<320000x128xf32, #tpu.memory_space<hbm>> -> memref<80x128xf32, #tpu.memory_space<hbm>>
        tpu.enqueue_dma source(%arg14 : memref<80x128xf32, #tpu.memory_space<vmem>>) target(%dma_start3A_76 : memref<80x128xf32, #tpu.memory_space<hbm>>) target_semaphore(%arg20 : memref<!tpu.dma_semaphore, #tpu.memory_space<semaphore_mem>>)
      } else {
      }
      %and3A_32 = arith.constant 1 : i32
      %and3A_33 = arith.andi %scan3A_27, %and3A_32 : i32
      %eq3A_34 = arith.constant 1 : i32
      %eq3A_35 = arith.cmpi eq, %and3A_33, %eq3A_34 : i32
      %convert_element_type3A_36 = arith.extui %eq3A_35 : i1 to i32
      %cond3A_37 = arith.constant 0 : i32
      %cond3A_38 = arith.cmpi ne, %convert_element_type3A_36, %cond3A_37 : i32
      scf.if %cond3A_38 {
        %mul3A_40 = arith.constant 80 : i32
        %mul3A_41 = arith.muli %scan3A_27, %mul3A_40 : i32
        %add3A_42 = arith.addi %mul3A_2, %mul3A_41 : i32
        %multiple_of3A = tpu.assume_multiple %add3A_42, 8 : i32
        %ge3A = arith.constant 2 : i32
        %ge3A_43 = arith.cmpi sge, %scan3A_27, %ge3A : i32
        %convert_element_type3A_44 = arith.extui %ge3A_43 : i1 to i32
        %cond3A_45 = arith.constant 0 : i32
        %cond3A_46 = arith.cmpi ne, %convert_element_type3A_44, %cond3A_45 : i32
        scf.if %cond3A_46 {
          %dma_wait3A_77 = arith.constant 0 : i32
          %dma_wait3A_78 = tpu.memref_slice %arg6[%mul3A_2, %dma_wait3A_77] : memref<320000x128xi32, #tpu.memory_space<hbm>> -> memref<80x128xi32, #tpu.memory_space<hbm>>
          %dma_wait3A_79 = arith.constant 0 : i32
          %dma_wait3A_80 = tpu.memref_slice %arg6[%mul3A_2, %dma_wait3A_79] : memref<320000x128xi32, #tpu.memory_space<hbm>> -> memref<80x128xi32, #tpu.memory_space<hbm>>
          tpu.wait_dma2 semaphore(%arg21 : memref<!tpu.dma_semaphore, #tpu.memory_space<semaphore_mem>>) src(%arg13 : memref<80x128xi32, #tpu.memory_space<vmem>>) dst(%dma_wait3A_80 : memref<80x128xi32, #tpu.memory_space<hbm>>)
          %dma_wait3A_81 = arith.constant 0 : i32
          %dma_wait3A_82 = tpu.memref_slice %arg7[%mul3A_2, %dma_wait3A_81] : memref<320000x128xf32, #tpu.memory_space<hbm>> -> memref<80x128xf32, #tpu.memory_space<hbm>>
          %dma_wait3A_83 = arith.constant 0 : i32
          %dma_wait3A_84 = tpu.memref_slice %arg7[%mul3A_2, %dma_wait3A_83] : memref<320000x128xf32, #tpu.memory_space<hbm>> -> memref<80x128xf32, #tpu.memory_space<hbm>>
          tpu.wait_dma2 semaphore(%arg21 : memref<!tpu.dma_semaphore, #tpu.memory_space<semaphore_mem>>) src(%arg15 : memref<80x128xf32, #tpu.memory_space<vmem>>) dst(%dma_wait3A_84 : memref<80x128xf32, #tpu.memory_space<hbm>>)
        } else {
        }
        %dma_wait3A_47 = tpu.memref_slice %arg4[%mul3A_2] : memref<320000xi32, #tpu.memory_space<hbm>> -> memref<80xi32, #tpu.memory_space<hbm>>
        %dma_wait3A_48 = tpu.memref_slice %arg4[%mul3A_2] : memref<320000xi32, #tpu.memory_space<hbm>> -> memref<80xi32, #tpu.memory_space<hbm>>
        tpu.wait_dma2 semaphore(%arg17 : memref<!tpu.dma_semaphore, #tpu.memory_space<semaphore_mem>>) src(%dma_wait3A_48 : memref<80xi32, #tpu.memory_space<hbm>>) dst(%arg9 : memref<80xi32, #tpu.memory_space<vmem>>)
        %dma_wait3A_49 = tpu.memref_slice %arg5[%mul3A_2] : memref<320000xi32, #tpu.memory_space<hbm>> -> memref<80xi32, #tpu.memory_space<hbm>>
        %dma_wait3A_50 = tpu.memref_slice %arg5[%mul3A_2] : memref<320000xi32, #tpu.memory_space<hbm>> -> memref<80xi32, #tpu.memory_space<hbm>>
        tpu.wait_dma2 semaphore(%arg17 : memref<!tpu.dma_semaphore, #tpu.memory_space<semaphore_mem>>) src(%dma_wait3A_50 : memref<80xi32, #tpu.memory_space<hbm>>) dst(%arg11 : memref<80xi32, #tpu.memory_space<vmem>>)
        %dma_start3A_51 = arith.constant 0 : i32
        %dma_start3A_52 = arith.constant 0 : i32
        %dma_start3A_53 = tpu.memref_slice %arg3[%dma_start3A_51, %dma_start3A_52] : memref<10000x128xi32, #tpu.memory_space<hbm>> -> memref<10000x128xi32, #tpu.memory_space<hbm>>
        tpu.enqueue_indirect_dma source(%dma_start3A_53 : memref<10000x128xi32, #tpu.memory_space<hbm>>) target(%arg13 : memref<80x128xi32, #tpu.memory_space<vmem>>) offsets(%arg9 : memref<80xi32, #tpu.memory_space<vmem>>) semaphore(%arg19 : memref<!tpu.dma_semaphore, #tpu.memory_space<semaphore_mem>>)
        %dma_start3A_54 = arith.constant 0 : i32
        %dma_start3A_55 = arith.constant 0 : i32
        %dma_start3A_56 = tpu.memref_slice %arg2[%dma_start3A_54, %dma_start3A_55] : memref<10000x128xf32, #tpu.memory_space<hbm>> -> memref<10000x128xf32, #tpu.memory_space<hbm>>
        tpu.enqueue_indirect_dma source(%dma_start3A_56 : memref<10000x128xf32, #tpu.memory_space<hbm>>) target(%arg15 : memref<80x128xf32, #tpu.memory_space<vmem>>) offsets(%arg11 : memref<80xi32, #tpu.memory_space<vmem>>) semaphore(%arg19 : memref<!tpu.dma_semaphore, #tpu.memory_space<semaphore_mem>>)
        %add3A_57 = arith.constant 1 : i32
        %add3A_58 = arith.addi %scan3A_27, %add3A_57 : i32
        %lt3A = arith.constant 125 : i32
        %lt3A_59 = arith.cmpi slt, %add3A_58, %lt3A : i32
        %convert_element_type3A_60 = arith.extui %lt3A_59 : i1 to i32
        %cond3A_61 = arith.constant 0 : i32
        %cond3A_62 = arith.cmpi ne, %convert_element_type3A_60, %cond3A_61 : i32
        scf.if %cond3A_62 {
          %add3A_77 = arith.constant 1 : i32
          %add3A_78 = arith.addi %scan3A_27, %add3A_77 : i32
          %mul3A_79 = arith.constant 80 : i32
          %mul3A_80 = arith.muli %add3A_78, %mul3A_79 : i32
          %add3A_81 = arith.addi %mul3A_2, %mul3A_80 : i32
          %multiple_of3A_82 = tpu.assume_multiple %add3A_81, 8 : i32
          %dma_start3A_83 = tpu.memref_slice %arg4[%multiple_of3A_82] : memref<320000xi32, #tpu.memory_space<hbm>> -> memref<80xi32, #tpu.memory_space<hbm>>
          %dma_start3A_84 = tpu.memref_slice %arg4[%multiple_of3A_82] : memref<320000xi32, #tpu.memory_space<hbm>> -> memref<80xi32, #tpu.memory_space<hbm>>
          tpu.enqueue_dma source(%dma_start3A_84 : memref<80xi32, #tpu.memory_space<hbm>>) target(%arg8 : memref<80xi32, #tpu.memory_space<vmem>>) target_semaphore(%arg16 : memref<!tpu.dma_semaphore, #tpu.memory_space<semaphore_mem>>)
          %dma_start3A_85 = tpu.memref_slice %arg5[%multiple_of3A_82] : memref<320000xi32, #tpu.memory_space<hbm>> -> memref<80xi32, #tpu.memory_space<hbm>>
          %dma_start3A_86 = tpu.memref_slice %arg5[%multiple_of3A_82] : memref<320000xi32, #tpu.memory_space<hbm>> -> memref<80xi32, #tpu.memory_space<hbm>>
          tpu.enqueue_dma source(%dma_start3A_86 : memref<80xi32, #tpu.memory_space<hbm>>) target(%arg10 : memref<80xi32, #tpu.memory_space<vmem>>) target_semaphore(%arg16 : memref<!tpu.dma_semaphore, #tpu.memory_space<semaphore_mem>>)
        } else {
        }
        %dma_wait3A_63 = arith.constant 0 : i32
        %dma_wait3A_64 = arith.constant 0 : i32
        %dma_wait3A_65 = tpu.memref_slice %arg3[%dma_wait3A_63, %dma_wait3A_64] : memref<10000x128xi32, #tpu.memory_space<hbm>> -> memref<10000x128xi32, #tpu.memory_space<hbm>>
        tpu.wait_indirect_dma semaphore(%arg19 : memref<!tpu.dma_semaphore, #tpu.memory_space<semaphore_mem>>) src(%dma_wait3A_65 : memref<10000x128xi32, #tpu.memory_space<hbm>>) dst(%arg13 : memref<80x128xi32, #tpu.memory_space<vmem>>)
        %dma_wait3A_66 = arith.constant 0 : i32
        %dma_wait3A_67 = arith.constant 0 : i32
        %dma_wait3A_68 = tpu.memref_slice %arg2[%dma_wait3A_66, %dma_wait3A_67] : memref<10000x128xf32, #tpu.memory_space<hbm>> -> memref<10000x128xf32, #tpu.memory_space<hbm>>
        tpu.wait_indirect_dma semaphore(%arg19 : memref<!tpu.dma_semaphore, #tpu.memory_space<semaphore_mem>>) src(%dma_wait3A_68 : memref<10000x128xf32, #tpu.memory_space<hbm>>) dst(%arg15 : memref<80x128xf32, #tpu.memory_space<vmem>>)
        %dma_start3A_69 = arith.constant 0 : i32
        %dma_start3A_70 = tpu.memref_slice %arg6[%multiple_of3A, %dma_start3A_69] : memref<320000x128xi32, #tpu.memory_space<hbm>> -> memref<80x128xi32, #tpu.memory_space<hbm>>
        %dma_start3A_71 = arith.constant 0 : i32
        %dma_start3A_72 = tpu.memref_slice %arg6[%multiple_of3A, %dma_start3A_71] : memref<320000x128xi32, #tpu.memory_space<hbm>> -> memref<80x128xi32, #tpu.memory_space<hbm>>
        tpu.enqueue_dma source(%arg13 : memref<80x128xi32, #tpu.memory_space<vmem>>) target(%dma_start3A_72 : memref<80x128xi32, #tpu.memory_space<hbm>>) target_semaphore(%arg21 : memref<!tpu.dma_semaphore, #tpu.memory_space<semaphore_mem>>)
        %dma_start3A_73 = arith.constant 0 : i32
        %dma_start3A_74 = tpu.memref_slice %arg7[%multiple_of3A, %dma_start3A_73] : memref<320000x128xf32, #tpu.memory_space<hbm>> -> memref<80x128xf32, #tpu.memory_space<hbm>>
        %dma_start3A_75 = arith.constant 0 : i32
        %dma_start3A_76 = tpu.memref_slice %arg7[%multiple_of3A, %dma_start3A_75] : memref<320000x128xf32, #tpu.memory_space<hbm>> -> memref<80x128xf32, #tpu.memory_space<hbm>>
        tpu.enqueue_dma source(%arg15 : memref<80x128xf32, #tpu.memory_space<vmem>>) target(%dma_start3A_76 : memref<80x128xf32, #tpu.memory_space<hbm>>) target_semaphore(%arg21 : memref<!tpu.dma_semaphore, #tpu.memory_space<semaphore_mem>>)
      } else {
      }
      %scan3A_39 = arith.constant 0 : i32
      scf.yield %scan3A_39 : i32
    }
    %scan3A_11 = arith.constant 125 : i32
    %dma_wait3A = arith.constant 0 : i32
    %dma_wait3A_12 = tpu.memref_slice %arg6[%mul3A_2, %dma_wait3A] : memref<320000x128xi32, #tpu.memory_space<hbm>> -> memref<80x128xi32, #tpu.memory_space<hbm>>
    %dma_wait3A_13 = arith.constant 0 : i32
    %dma_wait3A_14 = tpu.memref_slice %arg6[%mul3A_2, %dma_wait3A_13] : memref<320000x128xi32, #tpu.memory_space<hbm>> -> memref<80x128xi32, #tpu.memory_space<hbm>>
    tpu.wait_dma2 semaphore(%arg20 : memref<!tpu.dma_semaphore, #tpu.memory_space<semaphore_mem>>) src(%arg12 : memref<80x128xi32, #tpu.memory_space<vmem>>) dst(%dma_wait3A_14 : memref<80x128xi32, #tpu.memory_space<hbm>>)
    %dma_wait3A_15 = arith.constant 0 : i32
    %dma_wait3A_16 = tpu.memref_slice %arg7[%mul3A_2, %dma_wait3A_15] : memref<320000x128xf32, #tpu.memory_space<hbm>> -> memref<80x128xf32, #tpu.memory_space<hbm>>
    %dma_wait3A_17 = arith.constant 0 : i32
    %dma_wait3A_18 = tpu.memref_slice %arg7[%mul3A_2, %dma_wait3A_17] : memref<320000x128xf32, #tpu.memory_space<hbm>> -> memref<80x128xf32, #tpu.memory_space<hbm>>
    tpu.wait_dma2 semaphore(%arg20 : memref<!tpu.dma_semaphore, #tpu.memory_space<semaphore_mem>>) src(%arg14 : memref<80x128xf32, #tpu.memory_space<vmem>>) dst(%dma_wait3A_18 : memref<80x128xf32, #tpu.memory_space<hbm>>)
    %dma_wait3A_19 = arith.constant 0 : i32
    %dma_wait3A_20 = tpu.memref_slice %arg6[%mul3A_2, %dma_wait3A_19] : memref<320000x128xi32, #tpu.memory_space<hbm>> -> memref<80x128xi32, #tpu.memory_space<hbm>>
    %dma_wait3A_21 = arith.constant 0 : i32
    %dma_wait3A_22 = tpu.memref_slice %arg6[%mul3A_2, %dma_wait3A_21] : memref<320000x128xi32, #tpu.memory_space<hbm>> -> memref<80x128xi32, #tpu.memory_space<hbm>>
    tpu.wait_dma2 semaphore(%arg21 : memref<!tpu.dma_semaphore, #tpu.memory_space<semaphore_mem>>) src(%arg13 : memref<80x128xi32, #tpu.memory_space<vmem>>) dst(%dma_wait3A_22 : memref<80x128xi32, #tpu.memory_space<hbm>>)
    %dma_wait3A_23 = arith.constant 0 : i32
    %dma_wait3A_24 = tpu.memref_slice %arg7[%mul3A_2, %dma_wait3A_23] : memref<320000x128xf32, #tpu.memory_space<hbm>> -> memref<80x128xf32, #tpu.memory_space<hbm>>
    %dma_wait3A_25 = arith.constant 0 : i32
    %dma_wait3A_26 = tpu.memref_slice %arg7[%mul3A_2, %dma_wait3A_25] : memref<320000x128xf32, #tpu.memory_space<hbm>> -> memref<80x128xf32, #tpu.memory_space<hbm>>
    tpu.wait_dma2 semaphore(%arg21 : memref<!tpu.dma_semaphore, #tpu.memory_space<semaphore_mem>>) src(%arg15 : memref<80x128xf32, #tpu.memory_space<vmem>>) dst(%dma_wait3A_26 : memref<80x128xf32, #tpu.memory_space<hbm>>)
    return
  }
}

#map = affine_map<(d0, d1) -> (0, 0)>
#map1 = affine_map<(d0, d1) -> (0)>
module attributes {stable_mosaic.version = 14 : i64} {
  func.func @_scatter_body(%arg0: i32, %arg1: i32, %arg2: memref<320000x128xf32, #tpu.memory_space<hbm>>, %arg3: memref<320000xi32, #tpu.memory_space<hbm>>, %arg4: memref<10240x128xf32, #tpu.memory_space<hbm>>, %arg5: memref<20480x128xf32, #tpu.memory_space<hbm>>, %arg6: memref<80xi32, #tpu.memory_space<vmem>>, %arg7: memref<80xi32, #tpu.memory_space<vmem>>, %arg8: memref<80x128xf32, #tpu.memory_space<vmem>>, %arg9: memref<80x128xf32, #tpu.memory_space<vmem>>, %arg10: memref<10240x128xf32, #tpu.memory_space<vmem_shared>>, %arg11: memref<!tpu.dma_semaphore, #tpu.memory_space<semaphore_mem>>, %arg12: memref<!tpu.dma_semaphore, #tpu.memory_space<semaphore_mem>>) attributes {dimension_semantics = [#tpu.dimension_semantics<core_parallel>, #tpu.dimension_semantics<subcore_parallel>], iteration_bounds = array<i64: 2, 16>, scalar_prefetch = 0 : i64, scratch_operands = 7 : i64, tpu.core_type = #tpu.core_type<sc_vector_subcore>, window_params = [{transform_indices = #map}, {transform_indices = #map1}, {transform_indices = #map}, {transform_indices = #map}]} {
    %mul3A = arith.constant 2 : i32
    %mul3A_0 = arith.muli %arg1, %mul3A : i32
    %add3A = arith.addi %mul3A_0, %arg0 : i32
    %mul3A_1 = arith.constant 640 : i32
    %mul3A_2 = arith.muli %arg1, %mul3A_1 : i32
    %multiple_of3A = tpu.assume_multiple %mul3A_2, 8 : i32
    "tpu.region"() ({
      %run_scoped3A = tpu.sem_alloc : memref<!tpu.dma_semaphore, #tpu.memory_space<semaphore_mem>>
      %dma_start3A_21 = arith.constant 0 : i32
      %dma_start3A_22 = tpu.memref_slice %arg10[%multiple_of3A, %dma_start3A_21] : memref<10240x128xf32, #tpu.memory_space<vmem_shared>> -> memref<640x128xf32, #tpu.memory_space<vmem_shared>>
      %dma_start3A_23 = arith.constant 0 : i32
      %dma_start3A_24 = tpu.memref_slice %arg4[%multiple_of3A, %dma_start3A_23] : memref<10240x128xf32, #tpu.memory_space<hbm>> -> memref<640x128xf32, #tpu.memory_space<hbm>>
      tpu.enqueue_dma source(%dma_start3A_24 : memref<640x128xf32, #tpu.memory_space<hbm>>) target(%dma_start3A_22 : memref<640x128xf32, #tpu.memory_space<vmem_shared>>) target_semaphore(%run_scoped3A : memref<!tpu.dma_semaphore, #tpu.memory_space<semaphore_mem>>)
      %dma_wait3A = arith.constant 0 : i32
      %dma_wait3A_25 = tpu.memref_slice %arg10[%multiple_of3A, %dma_wait3A] : memref<10240x128xf32, #tpu.memory_space<vmem_shared>> -> memref<640x128xf32, #tpu.memory_space<vmem_shared>>
      %dma_wait3A_26 = arith.constant 0 : i32
      %dma_wait3A_27 = tpu.memref_slice %arg4[%multiple_of3A, %dma_wait3A_26] : memref<10240x128xf32, #tpu.memory_space<hbm>> -> memref<640x128xf32, #tpu.memory_space<hbm>>
      tpu.wait_dma2 semaphore(%run_scoped3A : memref<!tpu.dma_semaphore, #tpu.memory_space<semaphore_mem>>) src(%dma_wait3A_27 : memref<640x128xf32, #tpu.memory_space<hbm>>) dst(%dma_wait3A_25 : memref<640x128xf32, #tpu.memory_space<vmem_shared>>)
      tpu.yield
    }) : () -> ()
    %barrier3A = arith.constant 0 : index
    tpu.barrier barrier_id(%barrier3A)
    %mul3A_3 = arith.constant 10000 : i32
    %mul3A_4 = arith.muli %add3A, %mul3A_3 : i32
    %dma_start3A = tpu.memref_slice %arg3[%mul3A_4] : memref<320000xi32, #tpu.memory_space<hbm>> -> memref<80xi32, #tpu.memory_space<hbm>>
    %dma_start3A_5 = tpu.memref_slice %arg3[%mul3A_4] : memref<320000xi32, #tpu.memory_space<hbm>> -> memref<80xi32, #tpu.memory_space<hbm>>
    tpu.enqueue_dma source(%dma_start3A_5 : memref<80xi32, #tpu.memory_space<hbm>>) target(%arg6 : memref<80xi32, #tpu.memory_space<vmem>>) target_semaphore(%arg11 : memref<!tpu.dma_semaphore, #tpu.memory_space<semaphore_mem>>)
    %dma_start3A_6 = arith.constant 0 : i32
    %dma_start3A_7 = tpu.memref_slice %arg2[%mul3A_4, %dma_start3A_6] : memref<320000x128xf32, #tpu.memory_space<hbm>> -> memref<80x128xf32, #tpu.memory_space<hbm>>
    %dma_start3A_8 = arith.constant 0 : i32
    %dma_start3A_9 = tpu.memref_slice %arg2[%mul3A_4, %dma_start3A_8] : memref<320000x128xf32, #tpu.memory_space<hbm>> -> memref<80x128xf32, #tpu.memory_space<hbm>>
    tpu.enqueue_dma source(%dma_start3A_9 : memref<80x128xf32, #tpu.memory_space<hbm>>) target(%arg8 : memref<80x128xf32, #tpu.memory_space<vmem>>) target_semaphore(%arg11 : memref<!tpu.dma_semaphore, #tpu.memory_space<semaphore_mem>>)
    %scan3A = arith.constant 0 : i32
    %scan3A_10 = arith.constant 0 : i32
    %scan3A_11 = arith.constant 125 : i32
    %scan3A_12 = arith.addi %scan3A_10, %scan3A_11 : i32
    %scan3A_13 = arith.constant 1 : i32
    %scan3A_14 = scf.for %scan3A_21 = %scan3A_10 to %scan3A_12 step %scan3A_13 iter_args(%scan3A_22 = %scan3A) -> (i32)  : i32 {
      %and3A = arith.constant 1 : i32
      %and3A_23 = arith.andi %scan3A_21, %and3A : i32
      %eq3A = arith.constant 0 : i32
      %eq3A_24 = arith.cmpi eq, %and3A_23, %eq3A : i32
      %convert_element_type3A = arith.extui %eq3A_24 : i1 to i32
      %cond3A = arith.constant 0 : i32
      %cond3A_25 = arith.cmpi ne, %convert_element_type3A, %cond3A : i32
      scf.if %cond3A_25 {
        %dma_wait3A = tpu.memref_slice %arg3[%mul3A_4] : memref<320000xi32, #tpu.memory_space<hbm>> -> memref<80xi32, #tpu.memory_space<hbm>>
        %dma_wait3A_34 = tpu.memref_slice %arg3[%mul3A_4] : memref<320000xi32, #tpu.memory_space<hbm>> -> memref<80xi32, #tpu.memory_space<hbm>>
        tpu.wait_dma2 semaphore(%arg11 : memref<!tpu.dma_semaphore, #tpu.memory_space<semaphore_mem>>) src(%dma_wait3A_34 : memref<80xi32, #tpu.memory_space<hbm>>) dst(%arg6 : memref<80xi32, #tpu.memory_space<vmem>>)
        %dma_wait3A_35 = arith.constant 0 : i32
        %dma_wait3A_36 = tpu.memref_slice %arg2[%mul3A_4, %dma_wait3A_35] : memref<320000x128xf32, #tpu.memory_space<hbm>> -> memref<80x128xf32, #tpu.memory_space<hbm>>
        %dma_wait3A_37 = arith.constant 0 : i32
        %dma_wait3A_38 = tpu.memref_slice %arg2[%mul3A_4, %dma_wait3A_37] : memref<320000x128xf32, #tpu.memory_space<hbm>> -> memref<80x128xf32, #tpu.memory_space<hbm>>
        tpu.wait_dma2 semaphore(%arg11 : memref<!tpu.dma_semaphore, #tpu.memory_space<semaphore_mem>>) src(%dma_wait3A_38 : memref<80x128xf32, #tpu.memory_space<hbm>>) dst(%arg8 : memref<80x128xf32, #tpu.memory_space<vmem>>)
        %add3A_39 = arith.constant 1 : i32
        %add3A_40 = arith.addi %scan3A_21, %add3A_39 : i32
        %lt3A = arith.constant 125 : i32
        %lt3A_41 = arith.cmpi slt, %add3A_40, %lt3A : i32
        %convert_element_type3A_42 = arith.extui %lt3A_41 : i1 to i32
        %cond3A_43 = arith.constant 0 : i32
        %cond3A_44 = arith.cmpi ne, %convert_element_type3A_42, %cond3A_43 : i32
        scf.if %cond3A_44 {
          %add3A_45 = arith.constant 1 : i32
          %add3A_46 = arith.addi %scan3A_21, %add3A_45 : i32
          %mul3A_47 = arith.constant 80 : i32
          %mul3A_48 = arith.muli %add3A_46, %mul3A_47 : i32
          %add3A_49 = arith.addi %mul3A_4, %mul3A_48 : i32
          %multiple_of3A_50 = tpu.assume_multiple %add3A_49, 8 : i32
          %dma_start3A_51 = tpu.memref_slice %arg3[%multiple_of3A_50] : memref<320000xi32, #tpu.memory_space<hbm>> -> memref<80xi32, #tpu.memory_space<hbm>>
          %dma_start3A_52 = tpu.memref_slice %arg3[%multiple_of3A_50] : memref<320000xi32, #tpu.memory_space<hbm>> -> memref<80xi32, #tpu.memory_space<hbm>>
          tpu.enqueue_dma source(%dma_start3A_52 : memref<80xi32, #tpu.memory_space<hbm>>) target(%arg7 : memref<80xi32, #tpu.memory_space<vmem>>) target_semaphore(%arg12 : memref<!tpu.dma_semaphore, #tpu.memory_space<semaphore_mem>>)
          %dma_start3A_53 = arith.constant 0 : i32
          %dma_start3A_54 = tpu.memref_slice %arg2[%multiple_of3A_50, %dma_start3A_53] : memref<320000x128xf32, #tpu.memory_space<hbm>> -> memref<80x128xf32, #tpu.memory_space<hbm>>
          %dma_start3A_55 = arith.constant 0 : i32
          %dma_start3A_56 = tpu.memref_slice %arg2[%multiple_of3A_50, %dma_start3A_55] : memref<320000x128xf32, #tpu.memory_space<hbm>> -> memref<80x128xf32, #tpu.memory_space<hbm>>
          tpu.enqueue_dma source(%dma_start3A_56 : memref<80x128xf32, #tpu.memory_space<hbm>>) target(%arg9 : memref<80x128xf32, #tpu.memory_space<vmem>>) target_semaphore(%arg12 : memref<!tpu.dma_semaphore, #tpu.memory_space<semaphore_mem>>)
        } else {
        }
        "tpu.region"() ({
          %run_scoped3A = tpu.sem_alloc : memref<!tpu.dma_semaphore, #tpu.memory_space<semaphore_mem>>
          %dma_start3A_45 = arith.constant 0 : i32
          %dma_start3A_46 = arith.constant 0 : i32
          %dma_start3A_47 = tpu.memref_slice %arg10[%dma_start3A_45, %dma_start3A_46] : memref<10240x128xf32, #tpu.memory_space<vmem_shared>> -> memref<10240x128xf32, #tpu.memory_space<vmem_shared>>
          tpu.enqueue_indirect_dma source(%arg8 : memref<80x128xf32, #tpu.memory_space<vmem>>) target(%dma_start3A_47 : memref<10240x128xf32, #tpu.memory_space<vmem_shared>>) offsets(%arg6 : memref<80xi32, #tpu.memory_space<vmem>>) semaphore(%run_scoped3A : memref<!tpu.dma_semaphore, #tpu.memory_space<semaphore_mem>>) {add = true}
          %dma_wait3A_48 = arith.constant 0 : i32
          %dma_wait3A_49 = arith.constant 0 : i32
          %dma_wait3A_50 = tpu.memref_slice %arg10[%dma_wait3A_48, %dma_wait3A_49] : memref<10240x128xf32, #tpu.memory_space<vmem_shared>> -> memref<10240x128xf32, #tpu.memory_space<vmem_shared>>
          tpu.wait_indirect_dma semaphore(%run_scoped3A : memref<!tpu.dma_semaphore, #tpu.memory_space<semaphore_mem>>) src(%arg8 : memref<80x128xf32, #tpu.memory_space<vmem>>) dst(%dma_wait3A_50 : memref<10240x128xf32, #tpu.memory_space<vmem_shared>>)
          tpu.yield
        }) : () -> ()
      } else {
      }
      %and3A_26 = arith.constant 1 : i32
      %and3A_27 = arith.andi %scan3A_21, %and3A_26 : i32
      %eq3A_28 = arith.constant 1 : i32
      %eq3A_29 = arith.cmpi eq, %and3A_27, %eq3A_28 : i32
      %convert_element_type3A_30 = arith.extui %eq3A_29 : i1 to i32
      %cond3A_31 = arith.constant 0 : i32
      %cond3A_32 = arith.cmpi ne, %convert_element_type3A_30, %cond3A_31 : i32
      scf.if %cond3A_32 {
        %dma_wait3A = tpu.memref_slice %arg3[%mul3A_4] : memref<320000xi32, #tpu.memory_space<hbm>> -> memref<80xi32, #tpu.memory_space<hbm>>
        %dma_wait3A_34 = tpu.memref_slice %arg3[%mul3A_4] : memref<320000xi32, #tpu.memory_space<hbm>> -> memref<80xi32, #tpu.memory_space<hbm>>
        tpu.wait_dma2 semaphore(%arg12 : memref<!tpu.dma_semaphore, #tpu.memory_space<semaphore_mem>>) src(%dma_wait3A_34 : memref<80xi32, #tpu.memory_space<hbm>>) dst(%arg7 : memref<80xi32, #tpu.memory_space<vmem>>)
        %dma_wait3A_35 = arith.constant 0 : i32
        %dma_wait3A_36 = tpu.memref_slice %arg2[%mul3A_4, %dma_wait3A_35] : memref<320000x128xf32, #tpu.memory_space<hbm>> -> memref<80x128xf32, #tpu.memory_space<hbm>>
        %dma_wait3A_37 = arith.constant 0 : i32
        %dma_wait3A_38 = tpu.memref_slice %arg2[%mul3A_4, %dma_wait3A_37] : memref<320000x128xf32, #tpu.memory_space<hbm>> -> memref<80x128xf32, #tpu.memory_space<hbm>>
        tpu.wait_dma2 semaphore(%arg12 : memref<!tpu.dma_semaphore, #tpu.memory_space<semaphore_mem>>) src(%dma_wait3A_38 : memref<80x128xf32, #tpu.memory_space<hbm>>) dst(%arg9 : memref<80x128xf32, #tpu.memory_space<vmem>>)
        %add3A_39 = arith.constant 1 : i32
        %add3A_40 = arith.addi %scan3A_21, %add3A_39 : i32
        %lt3A = arith.constant 125 : i32
        %lt3A_41 = arith.cmpi slt, %add3A_40, %lt3A : i32
        %convert_element_type3A_42 = arith.extui %lt3A_41 : i1 to i32
        %cond3A_43 = arith.constant 0 : i32
        %cond3A_44 = arith.cmpi ne, %convert_element_type3A_42, %cond3A_43 : i32
        scf.if %cond3A_44 {
          %add3A_45 = arith.constant 1 : i32
          %add3A_46 = arith.addi %scan3A_21, %add3A_45 : i32
          %mul3A_47 = arith.constant 80 : i32
          %mul3A_48 = arith.muli %add3A_46, %mul3A_47 : i32
          %add3A_49 = arith.addi %mul3A_4, %mul3A_48 : i32
          %multiple_of3A_50 = tpu.assume_multiple %add3A_49, 8 : i32
          %dma_start3A_51 = tpu.memref_slice %arg3[%multiple_of3A_50] : memref<320000xi32, #tpu.memory_space<hbm>> -> memref<80xi32, #tpu.memory_space<hbm>>
          %dma_start3A_52 = tpu.memref_slice %arg3[%multiple_of3A_50] : memref<320000xi32, #tpu.memory_space<hbm>> -> memref<80xi32, #tpu.memory_space<hbm>>
          tpu.enqueue_dma source(%dma_start3A_52 : memref<80xi32, #tpu.memory_space<hbm>>) target(%arg6 : memref<80xi32, #tpu.memory_space<vmem>>) target_semaphore(%arg11 : memref<!tpu.dma_semaphore, #tpu.memory_space<semaphore_mem>>)
          %dma_start3A_53 = arith.constant 0 : i32
          %dma_start3A_54 = tpu.memref_slice %arg2[%multiple_of3A_50, %dma_start3A_53] : memref<320000x128xf32, #tpu.memory_space<hbm>> -> memref<80x128xf32, #tpu.memory_space<hbm>>
          %dma_start3A_55 = arith.constant 0 : i32
          %dma_start3A_56 = tpu.memref_slice %arg2[%multiple_of3A_50, %dma_start3A_55] : memref<320000x128xf32, #tpu.memory_space<hbm>> -> memref<80x128xf32, #tpu.memory_space<hbm>>
          tpu.enqueue_dma source(%dma_start3A_56 : memref<80x128xf32, #tpu.memory_space<hbm>>) target(%arg8 : memref<80x128xf32, #tpu.memory_space<vmem>>) target_semaphore(%arg11 : memref<!tpu.dma_semaphore, #tpu.memory_space<semaphore_mem>>)
        } else {
        }
        "tpu.region"() ({
          %run_scoped3A = tpu.sem_alloc : memref<!tpu.dma_semaphore, #tpu.memory_space<semaphore_mem>>
          %dma_start3A_45 = arith.constant 0 : i32
          %dma_start3A_46 = arith.constant 0 : i32
          %dma_start3A_47 = tpu.memref_slice %arg10[%dma_start3A_45, %dma_start3A_46] : memref<10240x128xf32, #tpu.memory_space<vmem_shared>> -> memref<10240x128xf32, #tpu.memory_space<vmem_shared>>
          tpu.enqueue_indirect_dma source(%arg9 : memref<80x128xf32, #tpu.memory_space<vmem>>) target(%dma_start3A_47 : memref<10240x128xf32, #tpu.memory_space<vmem_shared>>) offsets(%arg7 : memref<80xi32, #tpu.memory_space<vmem>>) semaphore(%run_scoped3A : memref<!tpu.dma_semaphore, #tpu.memory_space<semaphore_mem>>) {add = true}
          %dma_wait3A_48 = arith.constant 0 : i32
          %dma_wait3A_49 = arith.constant 0 : i32
          %dma_wait3A_50 = tpu.memref_slice %arg10[%dma_wait3A_48, %dma_wait3A_49] : memref<10240x128xf32, #tpu.memory_space<vmem_shared>> -> memref<10240x128xf32, #tpu.memory_space<vmem_shared>>
          tpu.wait_indirect_dma semaphore(%run_scoped3A : memref<!tpu.dma_semaphore, #tpu.memory_space<semaphore_mem>>) src(%arg9 : memref<80x128xf32, #tpu.memory_space<vmem>>) dst(%dma_wait3A_50 : memref<10240x128xf32, #tpu.memory_space<vmem_shared>>)
          tpu.yield
        }) : () -> ()
      } else {
      }
      %scan3A_33 = arith.constant 0 : i32
      scf.yield %scan3A_33 : i32
    }
    %scan3A_15 = arith.constant 125 : i32
    %barrier3A_16 = arith.constant 0 : index
    tpu.barrier barrier_id(%barrier3A_16)
    %mul3A_17 = arith.constant 10240 : i32
    %mul3A_18 = arith.muli %arg0, %mul3A_17 : i32
    %add3A_19 = arith.addi %mul3A_18, %multiple_of3A : i32
    %multiple_of3A_20 = tpu.assume_multiple %add3A_19, 8 : i32
    "tpu.region"() ({
      %run_scoped3A = tpu.sem_alloc : memref<!tpu.dma_semaphore, #tpu.memory_space<semaphore_mem>>
      %dma_start3A_21 = arith.constant 0 : i32
      %dma_start3A_22 = tpu.memref_slice %arg5[%multiple_of3A_20, %dma_start3A_21] : memref<20480x128xf32, #tpu.memory_space<hbm>> -> memref<640x128xf32, #tpu.memory_space<hbm>>
      %dma_start3A_23 = arith.constant 0 : i32
      %dma_start3A_24 = tpu.memref_slice %arg10[%multiple_of3A, %dma_start3A_23] : memref<10240x128xf32, #tpu.memory_space<vmem_shared>> -> memref<640x128xf32, #tpu.memory_space<vmem_shared>>
      tpu.enqueue_dma source(%dma_start3A_24 : memref<640x128xf32, #tpu.memory_space<vmem_shared>>) target(%dma_start3A_22 : memref<640x128xf32, #tpu.memory_space<hbm>>) target_semaphore(%run_scoped3A : memref<!tpu.dma_semaphore, #tpu.memory_space<semaphore_mem>>)
      %dma_wait3A = arith.constant 0 : i32
      %dma_wait3A_25 = tpu.memref_slice %arg5[%multiple_of3A_20, %dma_wait3A] : memref<20480x128xf32, #tpu.memory_space<hbm>> -> memref<640x128xf32, #tpu.memory_space<hbm>>
      %dma_wait3A_26 = arith.constant 0 : i32
      %dma_wait3A_27 = tpu.memref_slice %arg10[%multiple_of3A, %dma_wait3A_26] : memref<10240x128xf32, #tpu.memory_space<vmem_shared>> -> memref<640x128xf32, #tpu.memory_space<vmem_shared>>
      tpu.wait_dma2 semaphore(%run_scoped3A : memref<!tpu.dma_semaphore, #tpu.memory_space<semaphore_mem>>) src(%dma_wait3A_27 : memref<640x128xf32, #tpu.memory_space<vmem_shared>>) dst(%dma_wait3A_25 : memref<640x128xf32, #tpu.memory_space<hbm>>)
      tpu.yield
    }) : () -> ()
    return
  }
}

module attributes {stable_mosaic.version = 14 : i64} {
  func.func @_msg_body(%arg0: i32, %arg1: memref<2000x128xi32, #tpu.memory_space<vmem>>, %arg2: memref<2000x128xf32, #tpu.memory_space<vmem>>, %arg3: memref<2000x128xf32, #tpu.memory_space<vmem>>, %arg4: memref<2000x128xf32, #tpu.memory_space<vmem>>) attributes {dimension_semantics = [#tpu.dimension_semantics<arbitrary>], iteration_bounds = array<i64: 160>, scalar_prefetch = 0 : i64, scratch_operands = 0 : i64, tpu.core_type = #tpu.core_type<tc>, window_params = [{transform_indices = @transform_0, window_bounds = array<i64: 2000, 128>}, {transform_indices = @transform_1, window_bounds = array<i64: 2000, 128>}, {transform_indices = @transform_2, window_bounds = array<i64: 2000, 128>}, {transform_indices = @transform_3, window_bounds = array<i64: 2000, 128>}]} {
    %get3A = arith.constant 0 : index
    %get3A_0 = arith.constant 0 : index
    %get3A_1 = vector.load %arg1[%get3A, %get3A_0] : memref<2000x128xi32, #tpu.memory_space<vmem>>, vector<2000x128xi32>
    %shift_left3A = arith.constant 16 : i32
    %shift_left3A_2 = vector.broadcast %shift_left3A : i32 to vector<2000x128xi32>
    %shift_left3A_3 = arith.shli %get3A_1, %shift_left3A_2 : vector<2000x128xi32>
    %bitcast_convert_type3A = tpu.bitcast %shift_left3A_3 : vector<2000x128xi32> -> vector<2000x128xf32>
    %and3A = arith.constant -65536 : i32
    %and3A_4 = vector.broadcast %and3A : i32 to vector<2000x128xi32>
    %and3A_5 = arith.andi %get3A_1, %and3A_4 : vector<2000x128xi32>
    %bitcast_convert_type3A_6 = tpu.bitcast %and3A_5 : vector<2000x128xi32> -> vector<2000x128xf32>
    %get3A_7 = arith.constant 0 : index
    %get3A_8 = arith.constant 0 : index
    %get3A_9 = vector.load %arg2[%get3A_7, %get3A_8] : memref<2000x128xf32, #tpu.memory_space<vmem>>, vector<2000x128xf32>
    %mul3A = arith.mulf %bitcast_convert_type3A, %get3A_9 : vector<2000x128xf32>
    %iota3A = tpu.iota {dimensions = array<i32: 0>} : vector<128x8xi32>
    %jit3A = arith.constant 16 : i32
    %div3A = vector.broadcast %jit3A : i32 to vector<128x8xi32>
    %div3A_10 = arith.divsi %iota3A, %div3A : vector<128x8xi32>
    %sign3A = arith.constant 0 : i32
    %sign3A_11 = vector.broadcast %sign3A : i32 to vector<128x8xi32>
    %sign3A_12 = arith.cmpi sgt, %iota3A, %sign3A_11 : vector<128x8xi32>
    %sign3A_13 = arith.extui %sign3A_12 : vector<128x8xi1> to vector<128x8xi32>
    %sign3A_14 = arith.constant 0 : i32
    %sign3A_15 = vector.broadcast %sign3A_14 : i32 to vector<128x8xi32>
    %sign3A_16 = arith.cmpi slt, %iota3A, %sign3A_15 : vector<128x8xi32>
    %sign3A_17 = arith.extui %sign3A_16 : vector<128x8xi1> to vector<128x8xi32>
    %sign3A_18 = arith.subi %sign3A_13, %sign3A_17 : vector<128x8xi32>
    %sign3A_19 = arith.constant 0 : i32
    %sign3A_20 = arith.cmpi sgt, %jit3A, %sign3A_19 : i32
    %sign3A_21 = arith.extui %sign3A_20 : i1 to i32
    %sign3A_22 = arith.constant 0 : i32
    %sign3A_23 = arith.cmpi slt, %jit3A, %sign3A_22 : i32
    %sign3A_24 = arith.extui %sign3A_23 : i1 to i32
    %sign3A_25 = arith.subi %sign3A_21, %sign3A_24 : i32
    %ne3A = vector.broadcast %sign3A_25 : i32 to vector<128x8xi32>
    %ne3A_26 = arith.cmpi ne, %sign3A_18, %ne3A : vector<128x8xi32>
    %rem3A = vector.broadcast %jit3A : i32 to vector<128x8xi32>
    %rem3A_27 = arith.remsi %iota3A, %rem3A : vector<128x8xi32>
    %ne3A_28 = arith.constant 0 : i32
    %ne3A_29 = vector.broadcast %ne3A_28 : i32 to vector<128x8xi32>
    %ne3A_30 = arith.cmpi ne, %rem3A_27, %ne3A_29 : vector<128x8xi32>
    %and3A_31 = arith.andi %ne3A_26, %ne3A_30 : vector<128x8xi1>
    %sub3A = arith.constant 1 : i32
    %sub3A_32 = vector.broadcast %sub3A : i32 to vector<128x8xi32>
    %sub3A_33 = arith.subi %div3A_10, %sub3A_32 : vector<128x8xi32>
    %select_n3A = arith.select %and3A_31, %sub3A_33, %div3A_10 : vector<128x8xi1>, vector<128x8xi32>
    %iota3A_34 = tpu.iota {dimensions = array<i32: 1>} : vector<128x8xi32>
    %eq3A = arith.cmpi eq, %select_n3A, %iota3A_34 : vector<128x8xi32>
    %convert_element_type3A = arith.extui %eq3A : vector<128x8xi1> to vector<128x8xi32>
    %convert_element_type3A_35 = arith.sitofp %convert_element_type3A : vector<128x8xi32> to vector<128x8xf32>
    %dot_general3A = arith.constant dense<0.000000e+00> : vector<2000x8xf32>
    %dot_general3A_36 = tpu.matmul %mul3A, %convert_element_type3A_35, %dot_general3A {dimension_numbers = #tpu.dot_dimension_numbers<[1], [0], [0], [1], [0, 0, 1, 1], [], []>, transpose_lhs_hint = false} : vector<2000x128xf32>, vector<128x8xf32>, vector<2000x8xf32> -> vector<2000x8xf32>
    %mul3A_37 = arith.constant 2.500000e-01 : f32
    %mul3A_38 = vector.broadcast %mul3A_37 : f32 to vector<2000x8xf32>
    %mul3A_39 = arith.mulf %dot_general3A_36, %mul3A_38 : vector<2000x8xf32>
    %jit3A_40 = arith.constant -5.000000e+00 : f32
    %jit3A_41 = arith.constant 5.000000e+00 : f32
    %max3A = vector.broadcast %jit3A_40 : f32 to vector<2000x8xf32>
    %max3A_42 = arith.maximumf %max3A, %mul3A_39 : vector<2000x8xf32>
    %min3A = vector.broadcast %jit3A_41 : f32 to vector<2000x8xf32>
    %min3A_43 = arith.minimumf %min3A, %max3A_42 : vector<2000x8xf32>
    %exp3A = math.exp %min3A_43 : vector<2000x8xf32>
    %iota3A_44 = tpu.iota {dimensions = array<i32: 0>} : vector<8x128xi32>
    %iota3A_45 = tpu.iota {dimensions = array<i32: 1>} : vector<8x128xi32>
    %jit3A_46 = arith.constant 16 : i32
    %div3A_47 = vector.broadcast %jit3A_46 : i32 to vector<8x128xi32>
    %div3A_48 = arith.divsi %iota3A_45, %div3A_47 : vector<8x128xi32>
    %sign3A_49 = arith.constant 0 : i32
    %sign3A_50 = vector.broadcast %sign3A_49 : i32 to vector<8x128xi32>
    %sign3A_51 = arith.cmpi sgt, %iota3A_45, %sign3A_50 : vector<8x128xi32>
    %sign3A_52 = arith.extui %sign3A_51 : vector<8x128xi1> to vector<8x128xi32>
    %sign3A_53 = arith.constant 0 : i32
    %sign3A_54 = vector.broadcast %sign3A_53 : i32 to vector<8x128xi32>
    %sign3A_55 = arith.cmpi slt, %iota3A_45, %sign3A_54 : vector<8x128xi32>
    %sign3A_56 = arith.extui %sign3A_55 : vector<8x128xi1> to vector<8x128xi32>
    %sign3A_57 = arith.subi %sign3A_52, %sign3A_56 : vector<8x128xi32>
    %sign3A_58 = arith.constant 0 : i32
    %sign3A_59 = arith.cmpi sgt, %jit3A_46, %sign3A_58 : i32
    %sign3A_60 = arith.extui %sign3A_59 : i1 to i32
    %sign3A_61 = arith.constant 0 : i32
    %sign3A_62 = arith.cmpi slt, %jit3A_46, %sign3A_61 : i32
    %sign3A_63 = arith.extui %sign3A_62 : i1 to i32
    %sign3A_64 = arith.subi %sign3A_60, %sign3A_63 : i32
    %ne3A_65 = vector.broadcast %sign3A_64 : i32 to vector<8x128xi32>
    %ne3A_66 = arith.cmpi ne, %sign3A_57, %ne3A_65 : vector<8x128xi32>
    %rem3A_67 = vector.broadcast %jit3A_46 : i32 to vector<8x128xi32>
    %rem3A_68 = arith.remsi %iota3A_45, %rem3A_67 : vector<8x128xi32>
    %ne3A_69 = arith.constant 0 : i32
    %ne3A_70 = vector.broadcast %ne3A_69 : i32 to vector<8x128xi32>
    %ne3A_71 = arith.cmpi ne, %rem3A_68, %ne3A_70 : vector<8x128xi32>
    %and3A_72 = arith.andi %ne3A_66, %ne3A_71 : vector<8x128xi1>
    %sub3A_73 = arith.constant 1 : i32
    %sub3A_74 = vector.broadcast %sub3A_73 : i32 to vector<8x128xi32>
    %sub3A_75 = arith.subi %div3A_48, %sub3A_74 : vector<8x128xi32>
    %select_n3A_76 = arith.select %and3A_72, %sub3A_75, %div3A_48 : vector<8x128xi1>, vector<8x128xi32>
    %eq3A_77 = arith.cmpi eq, %iota3A_44, %select_n3A_76 : vector<8x128xi32>
    %convert_element_type3A_78 = arith.extui %eq3A_77 : vector<8x128xi1> to vector<8x128xi32>
    %convert_element_type3A_79 = arith.sitofp %convert_element_type3A_78 : vector<8x128xi32> to vector<8x128xf32>
    %dot_general3A_80 = arith.constant dense<0.000000e+00> : vector<2000x128xf32>
    %dot_general3A_81 = tpu.matmul %exp3A, %convert_element_type3A_79, %dot_general3A_80 {dimension_numbers = #tpu.dot_dimension_numbers<[1], [0], [0], [1], [0, 0, 1, 1], [], []>, transpose_lhs_hint = false} : vector<2000x8xf32>, vector<8x128xf32>, vector<2000x128xf32> -> vector<2000x128xf32>
    %mul3A_82 = arith.mulf %bitcast_convert_type3A_6, %dot_general3A_81 : vector<2000x128xf32>
    %swap3A = arith.constant 0 : index
    %swap3A_83 = arith.constant 0 : index
    %swap3A_84 = vector.load %arg3[%swap3A, %swap3A_83] : memref<2000x128xf32, #tpu.memory_space<vmem>>, vector<2000x128xf32>
    tpu.vector_store %arg3[%swap3A, %swap3A_83], %mul3A_82 {strides = array<i32>} : memref<2000x128xf32, #tpu.memory_space<vmem>>, vector<2000x128xf32>,
    %swap3A_85 = arith.constant 0 : index
    %swap3A_86 = arith.constant 0 : index
    %swap3A_87 = vector.load %arg4[%swap3A_85, %swap3A_86] : memref<2000x128xf32, #tpu.memory_space<vmem>>, vector<2000x128xf32>
    tpu.vector_store %arg4[%swap3A_85, %swap3A_86], %dot_general3A_81 {strides = array<i32>} : memref<2000x128xf32, #tpu.memory_space<vmem>>, vector<2000x128xf32>,
    return
  }
  func.func @transform_0(%arg0: i32) -> (i32, i32) {
    %c0_i32 = arith.constant 0 : i32
    %c0_i32_0 = arith.constant 0 : i32
    return %arg0, %c0_i32 : i32, i32
  }
  func.func @transform_1(%arg0: i32) -> (i32, i32) {
    %c0_i32 = arith.constant 0 : i32
    %c0_i32_0 = arith.constant 0 : i32
    return %arg0, %c0_i32 : i32, i32
  }
  func.func @transform_2(%arg0: i32) -> (i32, i32) {
    %c0_i32 = arith.constant 0 : i32
    %c0_i32_0 = arith.constant 0 : i32
    return %arg0, %c0_i32 : i32, i32
  }
  func.func @transform_3(%arg0: i32) -> (i32, i32) {
    %c0_i32 = arith.constant 0 : i32
    %c0_i32_0 = arith.constant 0 : i32
    return %arg0, %c0_i32 : i32, i32
  }
}

module attributes {stable_mosaic.version = 14 : i64} {
  func.func @_qkv_body(%arg0: i32, %arg1: memref<1000x128xf32, #tpu.memory_space<vmem>>, %arg2: memref<128x128xf32, #tpu.memory_space<vmem>>, %arg3: memref<1x128xf32, #tpu.memory_space<vmem>>, %arg4: memref<128x128xf32, #tpu.memory_space<vmem>>, %arg5: memref<1x128xf32, #tpu.memory_space<vmem>>, %arg6: memref<128x128xf32, #tpu.memory_space<vmem>>, %arg7: memref<1x128xf32, #tpu.memory_space<vmem>>, %arg8: memref<1000x128xf32, #tpu.memory_space<vmem>>, %arg9: memref<1000x128xi32, #tpu.memory_space<vmem>>) attributes {dimension_semantics = [#tpu.dimension_semantics<arbitrary>], iteration_bounds = array<i64: 10>, scalar_prefetch = 0 : i64, scratch_operands = 0 : i64, tpu.core_type = #tpu.core_type<tc>, window_params = [{transform_indices = @transform_0, window_bounds = array<i64: 1000, 128>}, {pipeline_mode = #tpu.pipeline_mode<synchronous>, transform_indices = @transform_1, window_bounds = array<i64: 128, 128>}, {pipeline_mode = #tpu.pipeline_mode<synchronous>, transform_indices = @transform_2, window_bounds = array<i64: 1, 128>}, {pipeline_mode = #tpu.pipeline_mode<synchronous>, transform_indices = @transform_3, window_bounds = array<i64: 128, 128>}, {pipeline_mode = #tpu.pipeline_mode<synchronous>, transform_indices = @transform_4, window_bounds = array<i64: 1, 128>}, {pipeline_mode = #tpu.pipeline_mode<synchronous>, transform_indices = @transform_5, window_bounds = array<i64: 128, 128>}, {pipeline_mode = #tpu.pipeline_mode<synchronous>, transform_indices = @transform_6, window_bounds = array<i64: 1, 128>}, {transform_indices = @transform_7, window_bounds = array<i64: 1000, 128>}, {transform_indices = @transform_8, window_bounds = array<i64: 1000, 128>}]} {
    %get3A = arith.constant 0 : index
    %get3A_0 = arith.constant 0 : index
    %get3A_1 = vector.load %arg1[%get3A, %get3A_0] : memref<1000x128xf32, #tpu.memory_space<vmem>>, vector<1000x128xf32>
    %get3A_2 = arith.constant 0 : index
    %get3A_3 = arith.constant 0 : index
    %get3A_4 = vector.load %arg2[%get3A_2, %get3A_3] : memref<128x128xf32, #tpu.memory_space<vmem>>, vector<128x128xf32>
    %dot_general3A = arith.constant dense<0.000000e+00> : vector<1000x128xf32>
    %dot_general3A_5 = tpu.matmul %get3A_1, %get3A_4, %dot_general3A {dimension_numbers = #tpu.dot_dimension_numbers<[1], [0], [0], [1], [0, 0, 1, 1], [], []>, transpose_lhs_hint = false} : vector<1000x128xf32>, vector<128x128xf32>, vector<1000x128xf32> -> vector<1000x128xf32>
    %get3A_6 = arith.constant 0 : index
    %get3A_7 = arith.constant 0 : index
    %get3A_8 = vector.load %arg3[%get3A_6, %get3A_7] : memref<1x128xf32, #tpu.memory_space<vmem>>, vector<1x128xf32>
    %add3A = vector.broadcast %get3A_8 : vector<1x128xf32> to vector<1000x128xf32>
    %add3A_9 = arith.addf %dot_general3A_5, %add3A : vector<1000x128xf32>
    %get3A_10 = arith.constant 0 : index
    %get3A_11 = arith.constant 0 : index
    %get3A_12 = vector.load %arg4[%get3A_10, %get3A_11] : memref<128x128xf32, #tpu.memory_space<vmem>>, vector<128x128xf32>
    %dot_general3A_13 = arith.constant dense<0.000000e+00> : vector<1000x128xf32>
    %dot_general3A_14 = tpu.matmul %get3A_1, %get3A_12, %dot_general3A_13 {dimension_numbers = #tpu.dot_dimension_numbers<[1], [0], [0], [1], [0, 0, 1, 1], [], []>, transpose_lhs_hint = false} : vector<1000x128xf32>, vector<128x128xf32>, vector<1000x128xf32> -> vector<1000x128xf32>
    %get3A_15 = arith.constant 0 : index
    %get3A_16 = arith.constant 0 : index
    %get3A_17 = vector.load %arg5[%get3A_15, %get3A_16] : memref<1x128xf32, #tpu.memory_space<vmem>>, vector<1x128xf32>
    %add3A_18 = vector.broadcast %get3A_17 : vector<1x128xf32> to vector<1000x128xf32>
    %add3A_19 = arith.addf %dot_general3A_14, %add3A_18 : vector<1000x128xf32>
    %get3A_20 = arith.constant 0 : index
    %get3A_21 = arith.constant 0 : index
    %get3A_22 = vector.load %arg6[%get3A_20, %get3A_21] : memref<128x128xf32, #tpu.memory_space<vmem>>, vector<128x128xf32>
    %dot_general3A_23 = arith.constant dense<0.000000e+00> : vector<1000x128xf32>
    %dot_general3A_24 = tpu.matmul %get3A_1, %get3A_22, %dot_general3A_23 {dimension_numbers = #tpu.dot_dimension_numbers<[1], [0], [0], [1], [0, 0, 1, 1], [], []>, transpose_lhs_hint = false} : vector<1000x128xf32>, vector<128x128xf32>, vector<1000x128xf32> -> vector<1000x128xf32>
    %get3A_25 = arith.constant 0 : index
    %get3A_26 = arith.constant 0 : index
    %get3A_27 = vector.load %arg7[%get3A_25, %get3A_26] : memref<1x128xf32, #tpu.memory_space<vmem>>, vector<1x128xf32>
    %add3A_28 = vector.broadcast %get3A_27 : vector<1x128xf32> to vector<1000x128xf32>
    %add3A_29 = arith.addf %dot_general3A_24, %add3A_28 : vector<1000x128xf32>
    %swap3A = arith.constant 0 : index
    %swap3A_30 = arith.constant 0 : index
    %swap3A_31 = vector.load %arg8[%swap3A, %swap3A_30] : memref<1000x128xf32, #tpu.memory_space<vmem>>, vector<1000x128xf32>
    tpu.vector_store %arg8[%swap3A, %swap3A_30], %add3A_9 {strides = array<i32>} : memref<1000x128xf32, #tpu.memory_space<vmem>>, vector<1000x128xf32>,
    %convert_element_type3A = arith.truncf %add3A_19 : vector<1000x128xf32> to vector<1000x128xbf16>
    %bitcast_convert_type3A = tpu.bitcast %convert_element_type3A : vector<1000x128xbf16> -> vector<1000x128xi16>
    %convert_element_type3A_32 = arith.truncf %add3A_29 : vector<1000x128xf32> to vector<1000x128xbf16>
    %bitcast_convert_type3A_33 = tpu.bitcast %convert_element_type3A_32 : vector<1000x128xbf16> -> vector<1000x128xi16>
    %convert_element_type3A_34 = arith.extui %bitcast_convert_type3A_33 : vector<1000x128xi16> to vector<1000x128xi32>
    %shift_left3A = arith.constant 16 : i32
    %shift_left3A_35 = vector.broadcast %shift_left3A : i32 to vector<1000x128xi32>
    %shift_left3A_36 = arith.shli %convert_element_type3A_34, %shift_left3A_35 : vector<1000x128xi32>
    %convert_element_type3A_37 = arith.extui %bitcast_convert_type3A : vector<1000x128xi16> to vector<1000x128xi32>
    %or3A = arith.ori %shift_left3A_36, %convert_element_type3A_37 : vector<1000x128xi32>
    %swap3A_38 = arith.constant 0 : index
    %swap3A_39 = arith.constant 0 : index
    %swap3A_40 = vector.load %arg9[%swap3A_38, %swap3A_39] : memref<1000x128xi32, #tpu.memory_space<vmem>>, vector<1000x128xi32>
    tpu.vector_store %arg9[%swap3A_38, %swap3A_39], %or3A {strides = array<i32>} : memref<1000x128xi32, #tpu.memory_space<vmem>>, vector<1000x128xi32>,
    return
  }
  func.func @transform_0(%arg0: i32) -> (i32, i32) {
    %c0_i32 = arith.constant 0 : i32
    %c0_i32_0 = arith.constant 0 : i32
    return %arg0, %c0_i32 : i32, i32
  }
  func.func @transform_1(%arg0: i32) -> (i32, i32) {
    %c0_i32 = arith.constant 0 : i32
    %c0_i32_0 = arith.constant 0 : i32
    %c0_i32_1 = arith.constant 0 : i32
    return %c0_i32, %c0_i32_0 : i32, i32
  }
  func.func @transform_2(%arg0: i32) -> (i32, i32) {
    %c0_i32 = arith.constant 0 : i32
    %c0_i32_0 = arith.constant 0 : i32
    %c0_i32_1 = arith.constant 0 : i32
    return %c0_i32, %c0_i32_0 : i32, i32
  }
  func.func @transform_3(%arg0: i32) -> (i32, i32) {
    %c0_i32 = arith.constant 0 : i32
    %c0_i32_0 = arith.constant 0 : i32
    %c0_i32_1 = arith.constant 0 : i32
    return %c0_i32, %c0_i32_0 : i32, i32
  }
  func.func @transform_4(%arg0: i32) -> (i32, i32) {
    %c0_i32 = arith.constant 0 : i32
    %c0_i32_0 = arith.constant 0 : i32
    %c0_i32_1 = arith.constant 0 : i32
    return %c0_i32, %c0_i32_0 : i32, i32
  }
  func.func @transform_5(%arg0: i32) -> (i32, i32) {
    %c0_i32 = arith.constant 0 : i32
    %c0_i32_0 = arith.constant 0 : i32
    %c0_i32_1 = arith.constant 0 : i32
    return %c0_i32, %c0_i32_0 : i32, i32
  }
  func.func @transform_6(%arg0: i32) -> (i32, i32) {
    %c0_i32 = arith.constant 0 : i32
    %c0_i32_0 = arith.constant 0 : i32
    %c0_i32_1 = arith.constant 0 : i32
    return %c0_i32, %c0_i32_0 : i32, i32
  }
  func.func @transform_7(%arg0: i32) -> (i32, i32) {
    %c0_i32 = arith.constant 0 : i32
    %c0_i32_0 = arith.constant 0 : i32
    return %arg0, %c0_i32 : i32, i32
  }
  func.func @transform_8(%arg0: i32) -> (i32, i32) {
    %c0_i32 = arith.constant 0 : i32
    %c0_i32_0 = arith.constant 0 : i32
    return %arg0, %c0_i32 : i32, i32
  }
}

module attributes {stable_mosaic.version = 14 : i64} {
  func.func @_final_body(%arg0: i32, %arg1: memref<80x128xf32, #tpu.memory_space<vmem>>, %arg2: memref<80x128xf32, #tpu.memory_space<vmem>>, %arg3: memref<80x128xf32, #tpu.memory_space<vmem>>, %arg4: memref<80x128xf32, #tpu.memory_space<vmem>>, %arg5: memref<80x128xf32, #tpu.memory_space<vmem>>, %arg6: memref<128x128xf32, #tpu.memory_space<vmem>>, %arg7: memref<1x128xf32, #tpu.memory_space<vmem>>, %arg8: memref<1x128xf32, #tpu.memory_space<vmem>>, %arg9: memref<1x128xf32, #tpu.memory_space<vmem>>, %arg10: memref<1x128xf32, #tpu.memory_space<vmem>>, %arg11: memref<1x128xf32, #tpu.memory_space<vmem>>, %arg12: memref<80x128xf32, #tpu.memory_space<vmem>>) attributes {dimension_semantics = [#tpu.dimension_semantics<arbitrary>], iteration_bounds = array<i64: 125>, scalar_prefetch = 0 : i64, scratch_operands = 0 : i64, tpu.core_type = #tpu.core_type<tc>, window_params = [{transform_indices = @transform_0, window_bounds = array<i64: 80, 128>}, {transform_indices = @transform_1, window_bounds = array<i64: 80, 128>}, {transform_indices = @transform_2, window_bounds = array<i64: 80, 128>}, {transform_indices = @transform_3, window_bounds = array<i64: 80, 128>}, {transform_indices = @transform_4, window_bounds = array<i64: 80, 128>}, {pipeline_mode = #tpu.pipeline_mode<synchronous>, transform_indices = @transform_5, window_bounds = array<i64: 128, 128>}, {pipeline_mode = #tpu.pipeline_mode<synchronous>, transform_indices = @transform_6, window_bounds = array<i64: 1, 128>}, {pipeline_mode = #tpu.pipeline_mode<synchronous>, transform_indices = @transform_7, window_bounds = array<i64: 1, 128>}, {pipeline_mode = #tpu.pipeline_mode<synchronous>, transform_indices = @transform_8, window_bounds = array<i64: 1, 128>}, {pipeline_mode = #tpu.pipeline_mode<synchronous>, transform_indices = @transform_9, window_bounds = array<i64: 1, 128>}, {pipeline_mode = #tpu.pipeline_mode<synchronous>, transform_indices = @transform_10, window_bounds = array<i64: 1, 128>}, {transform_indices = @transform_11, window_bounds = array<i64: 80, 128>}]} {
    %get3A = arith.constant 0 : index
    %get3A_0 = arith.constant 0 : index
    %get3A_1 = vector.load %arg1[%get3A, %get3A_0] : memref<80x128xf32, #tpu.memory_space<vmem>>, vector<80x128xf32>
    %get3A_2 = arith.constant 0 : index
    %get3A_3 = arith.constant 0 : index
    %get3A_4 = vector.load %arg2[%get3A_2, %get3A_3] : memref<80x128xf32, #tpu.memory_space<vmem>>, vector<80x128xf32>
    %add3A = arith.addf %get3A_1, %get3A_4 : vector<80x128xf32>
    %get3A_5 = arith.constant 0 : index
    %get3A_6 = arith.constant 0 : index
    %get3A_7 = vector.load %arg3[%get3A_5, %get3A_6] : memref<80x128xf32, #tpu.memory_space<vmem>>, vector<80x128xf32>
    %get3A_8 = arith.constant 0 : index
    %get3A_9 = arith.constant 0 : index
    %get3A_10 = vector.load %arg4[%get3A_8, %get3A_9] : memref<80x128xf32, #tpu.memory_space<vmem>>, vector<80x128xf32>
    %add3A_11 = arith.addf %get3A_7, %get3A_10 : vector<80x128xf32>
    %add3A_12 = arith.constant 1.000000e-03 : f32
    %add3A_13 = vector.broadcast %add3A_12 : f32 to vector<80x128xf32>
    %add3A_14 = arith.addf %add3A_11, %add3A_13 : vector<80x128xf32>
    %div3A = arith.divf %add3A, %add3A_14 : vector<80x128xf32>
    %get3A_15 = arith.constant 0 : index
    %get3A_16 = arith.constant 0 : index
    %get3A_17 = vector.load %arg5[%get3A_15, %get3A_16] : memref<80x128xf32, #tpu.memory_space<vmem>>, vector<80x128xf32>
    %add3A_18 = arith.addf %get3A_17, %div3A : vector<80x128xf32>
    %get3A_19 = arith.constant 0 : index
    %get3A_20 = arith.constant 0 : index
    %get3A_21 = vector.load %arg8[%get3A_19, %get3A_20] : memref<1x128xf32, #tpu.memory_space<vmem>>, vector<1x128xf32>
    %get3A_22 = arith.constant 0 : index
    %get3A_23 = arith.constant 0 : index
    %get3A_24 = vector.load %arg9[%get3A_22, %get3A_23] : memref<1x128xf32, #tpu.memory_space<vmem>>, vector<1x128xf32>
    %reduce_sum3A = arith.constant dense<0.000000e+00> : vector<80xf32>
    %reduce_sum3A_25 = vector.multi_reduction <add>, %add3A_18, %reduce_sum3A [1] : vector<80x128xf32> to vector<80xf32>
    %broadcast_in_dim3A = vector.shape_cast %reduce_sum3A_25 : vector<80xf32> to vector<80x1xf32>
    %div3A_26 = arith.constant 1.280000e+02 : f32
    %div3A_27 = vector.broadcast %div3A_26 : f32 to vector<80x1xf32>
    %div3A_28 = arith.divf %broadcast_in_dim3A, %div3A_27 : vector<80x1xf32>
    %sub3A = vector.broadcast %div3A_28 : vector<80x1xf32> to vector<80x128xf32>
    %sub3A_29 = arith.subf %add3A_18, %sub3A : vector<80x128xf32>
    %integer_pow3A = arith.mulf %sub3A_29, %sub3A_29 : vector<80x128xf32>
    %reduce_sum3A_30 = arith.constant dense<0.000000e+00> : vector<80xf32>
    %reduce_sum3A_31 = vector.multi_reduction <add>, %integer_pow3A, %reduce_sum3A_30 [1] : vector<80x128xf32> to vector<80xf32>
    %broadcast_in_dim3A_32 = vector.shape_cast %reduce_sum3A_31 : vector<80xf32> to vector<80x1xf32>
    %div3A_33 = arith.constant 1.280000e+02 : f32
    %div3A_34 = vector.broadcast %div3A_33 : f32 to vector<80x1xf32>
    %div3A_35 = arith.divf %broadcast_in_dim3A_32, %div3A_34 : vector<80x1xf32>
    %sub3A_36 = vector.broadcast %div3A_28 : vector<80x1xf32> to vector<80x128xf32>
    %sub3A_37 = arith.subf %add3A_18, %sub3A_36 : vector<80x128xf32>
    %add3A_38 = arith.constant 9.99999974E-6 : f32
    %add3A_39 = vector.broadcast %add3A_38 : f32 to vector<80x1xf32>
    %add3A_40 = arith.addf %div3A_35, %add3A_39 : vector<80x1xf32>
    %rsqrt3A = math.rsqrt %add3A_40 : vector<80x1xf32>
    %mul3A = vector.broadcast %rsqrt3A : vector<80x1xf32> to vector<80x128xf32>
    %mul3A_41 = arith.mulf %sub3A_37, %mul3A : vector<80x128xf32>
    %mul3A_42 = vector.broadcast %get3A_21 : vector<1x128xf32> to vector<80x128xf32>
    %mul3A_43 = arith.mulf %mul3A_41, %mul3A_42 : vector<80x128xf32>
    %add3A_44 = vector.broadcast %get3A_24 : vector<1x128xf32> to vector<80x128xf32>
    %add3A_45 = arith.addf %mul3A_43, %add3A_44 : vector<80x128xf32>
    %get3A_46 = arith.constant 0 : index
    %get3A_47 = arith.constant 0 : index
    %get3A_48 = vector.load %arg10[%get3A_46, %get3A_47] : memref<1x128xf32, #tpu.memory_space<vmem>>, vector<1x128xf32>
    %get3A_49 = arith.constant 0 : index
    %get3A_50 = arith.constant 0 : index
    %get3A_51 = vector.load %arg11[%get3A_49, %get3A_50] : memref<1x128xf32, #tpu.memory_space<vmem>>, vector<1x128xf32>
    %reduce_sum3A_52 = arith.constant dense<0.000000e+00> : vector<80xf32>
    %reduce_sum3A_53 = vector.multi_reduction <add>, %add3A_45, %reduce_sum3A_52 [1] : vector<80x128xf32> to vector<80xf32>
    %broadcast_in_dim3A_54 = vector.shape_cast %reduce_sum3A_53 : vector<80xf32> to vector<80x1xf32>
    %div3A_55 = arith.constant 1.280000e+02 : f32
    %div3A_56 = vector.broadcast %div3A_55 : f32 to vector<80x1xf32>
    %div3A_57 = arith.divf %broadcast_in_dim3A_54, %div3A_56 : vector<80x1xf32>
    %sub3A_58 = vector.broadcast %div3A_57 : vector<80x1xf32> to vector<80x128xf32>
    %sub3A_59 = arith.subf %add3A_45, %sub3A_58 : vector<80x128xf32>
    %integer_pow3A_60 = arith.mulf %sub3A_59, %sub3A_59 : vector<80x128xf32>
    %reduce_sum3A_61 = arith.constant dense<0.000000e+00> : vector<80xf32>
    %reduce_sum3A_62 = vector.multi_reduction <add>, %integer_pow3A_60, %reduce_sum3A_61 [1] : vector<80x128xf32> to vector<80xf32>
    %broadcast_in_dim3A_63 = vector.shape_cast %reduce_sum3A_62 : vector<80xf32> to vector<80x1xf32>
    %div3A_64 = arith.constant 1.280000e+02 : f32
    %div3A_65 = vector.broadcast %div3A_64 : f32 to vector<80x1xf32>
    %div3A_66 = arith.divf %broadcast_in_dim3A_63, %div3A_65 : vector<80x1xf32>
    %sub3A_67 = vector.broadcast %div3A_57 : vector<80x1xf32> to vector<80x128xf32>
    %sub3A_68 = arith.subf %add3A_45, %sub3A_67 : vector<80x128xf32>
    %add3A_69 = arith.constant 9.99999974E-6 : f32
    %add3A_70 = vector.broadcast %add3A_69 : f32 to vector<80x1xf32>
    %add3A_71 = arith.addf %div3A_66, %add3A_70 : vector<80x1xf32>
    %rsqrt3A_72 = math.rsqrt %add3A_71 : vector<80x1xf32>
    %mul3A_73 = vector.broadcast %rsqrt3A_72 : vector<80x1xf32> to vector<80x128xf32>
    %mul3A_74 = arith.mulf %sub3A_68, %mul3A_73 : vector<80x128xf32>
    %mul3A_75 = vector.broadcast %get3A_48 : vector<1x128xf32> to vector<80x128xf32>
    %mul3A_76 = arith.mulf %mul3A_74, %mul3A_75 : vector<80x128xf32>
    %add3A_77 = vector.broadcast %get3A_51 : vector<1x128xf32> to vector<80x128xf32>
    %add3A_78 = arith.addf %mul3A_76, %add3A_77 : vector<80x128xf32>
    %get3A_79 = arith.constant 0 : index
    %get3A_80 = arith.constant 0 : index
    %get3A_81 = vector.load %arg6[%get3A_79, %get3A_80] : memref<128x128xf32, #tpu.memory_space<vmem>>, vector<128x128xf32>
    %dot_general3A = arith.constant dense<0.000000e+00> : vector<80x128xf32>
    %dot_general3A_82 = tpu.matmul %add3A_78, %get3A_81, %dot_general3A {dimension_numbers = #tpu.dot_dimension_numbers<[1], [0], [0], [1], [0, 0, 1, 1], [], []>, transpose_lhs_hint = false} : vector<80x128xf32>, vector<128x128xf32>, vector<80x128xf32> -> vector<80x128xf32>
    %get3A_83 = arith.constant 0 : index
    %get3A_84 = arith.constant 0 : index
    %get3A_85 = vector.load %arg7[%get3A_83, %get3A_84] : memref<1x128xf32, #tpu.memory_space<vmem>>, vector<1x128xf32>
    %add3A_86 = vector.broadcast %get3A_85 : vector<1x128xf32> to vector<80x128xf32>
    %add3A_87 = arith.addf %dot_general3A_82, %add3A_86 : vector<80x128xf32>
    %max3A = arith.constant 0.000000e+00 : f32
    %max3A_88 = vector.broadcast %max3A : f32 to vector<80x128xf32>
    %max3A_89 = arith.maximumf %add3A_87, %max3A_88 : vector<80x128xf32>
    %add3A_90 = arith.addf %add3A_45, %max3A_89 : vector<80x128xf32>
    %swap3A = arith.constant 0 : index
    %swap3A_91 = arith.constant 0 : index
    %swap3A_92 = vector.load %arg12[%swap3A, %swap3A_91] : memref<80x128xf32, #tpu.memory_space<vmem>>, vector<80x128xf32>
    tpu.vector_store %arg12[%swap3A, %swap3A_91], %add3A_90 {strides = array<i32>} : memref<80x128xf32, #tpu.memory_space<vmem>>, vector<80x128xf32>,
    return
  }
  func.func @transform_0(%arg0: i32) -> (i32, i32) {
    %c0_i32 = arith.constant 0 : i32
    %c0_i32_0 = arith.constant 0 : i32
    return %arg0, %c0_i32 : i32, i32
  }
  func.func @transform_1(%arg0: i32) -> (i32, i32) {
    %add3A = arith.constant 128 : i32
    %add3A_0 = arith.addi %arg0, %add3A : i32
    %c0_i32 = arith.constant 0 : i32
    %c0_i32_1 = arith.constant 0 : i32
    return %add3A_0, %c0_i32 : i32, i32
  }
  func.func @transform_2(%arg0: i32) -> (i32, i32) {
    %c0_i32 = arith.constant 0 : i32
    %c0_i32_0 = arith.constant 0 : i32
    return %arg0, %c0_i32 : i32, i32
  }
  func.func @transform_3(%arg0: i32) -> (i32, i32) {
    %add3A = arith.constant 128 : i32
    %add3A_0 = arith.addi %arg0, %add3A : i32
    %c0_i32 = arith.constant 0 : i32
    %c0_i32_1 = arith.constant 0 : i32
    return %add3A_0, %c0_i32 : i32, i32
  }
  func.func @transform_4(%arg0: i32) -> (i32, i32) {
    %c0_i32 = arith.constant 0 : i32
    %c0_i32_0 = arith.constant 0 : i32
    return %arg0, %c0_i32 : i32, i32
  }
  func.func @transform_5(%arg0: i32) -> (i32, i32) {
    %c0_i32 = arith.constant 0 : i32
    %c0_i32_0 = arith.constant 0 : i32
    %c0_i32_1 = arith.constant 0 : i32
    return %c0_i32, %c0_i32_0 : i32, i32
  }
  func.func @transform_6(%arg0: i32) -> (i32, i32) {
    %c0_i32 = arith.constant 0 : i32
    %c0_i32_0 = arith.constant 0 : i32
    %c0_i32_1 = arith.constant 0 : i32
    return %c0_i32, %c0_i32_0 : i32, i32
  }
  func.func @transform_7(%arg0: i32) -> (i32, i32) {
    %c0_i32 = arith.constant 0 : i32
    %c0_i32_0 = arith.constant 0 : i32
    %c0_i32_1 = arith.constant 0 : i32
    return %c0_i32, %c0_i32_0 : i32, i32
  }
  func.func @transform_8(%arg0: i32) -> (i32, i32) {
    %c0_i32 = arith.constant 0 : i32
    %c0_i32_0 = arith.constant 0 : i32
    %c0_i32_1 = arith.constant 0 : i32
    return %c0_i32, %c0_i32_0 : i32, i32
  }
  func.func @transform_9(%arg0: i32) -> (i32, i32) {
    %c0_i32 = arith.constant 0 : i32
    %c0_i32_0 = arith.constant 0 : i32
    %c0_i32_1 = arith.constant 0 : i32
    return %c0_i32, %c0_i32_0 : i32, i32
  }
  func.func @transform_10(%arg0: i32) -> (i32, i32) {
    %c0_i32 = arith.constant 0 : i32
    %c0_i32_0 = arith.constant 0 : i32
    %c0_i32_1 = arith.constant 0 : i32
    return %c0_i32, %c0_i32_0 : i32, i32
  }
  func.func @transform_11(%arg0: i32) -> (i32, i32) {
    %c0_i32 = arith.constant 0 : i32
    %c0_i32_0 = arith.constant 0 : i32
    return %arg0, %c0_i32 : i32, i32
  }
}

</mosaic_0001>

<sc_bundles>
// kernel: kernel.11.cloned.1.call-start
scs
__scs_entry_jumppad:
0x0: {  	(pc) =	sbr.rel $0x88, $3  }
0x1: {  	(tag) =	ssettag $0x0;
	lr =	simm.s32 $0x1  }
0x2: {  	[smem:$0x3F93] =	sst lr;
	_ =	strace $0xD0000000  }
0x3: {  	_ = 	snop  }
0x4: {  	_ = 	snop  }
0x5: {  	_ = 	snop  }
0x6: {  	_ = 	snop  }
0x7: {  	_ = 	snop  }
__scs_overlays_trampoline_lowered:
0x8: {  	[smem:$0x3FA2] =	sst s0  }
0x9: {  	[smem:$0x3FA3] =	sst s1  }
0xa: {  	[smem:$0x3FA4] =	sst s2  }
0xb: {  	[smem:$0x3FA5] =	sst s3  }
0xc: {  	[smem:$0x3FA6] =	sst s4  }
0xd: {  	[smem:$0x3FA7] =	sst s5  }
0xe: {  	[smem:$0x3FA8] =	sst s6  }
0xf: {  	[smem:$0x3FA9] =	sst s7  }
0x10: {  	[smem:$0x3FAA] =	sst s8  }
0x11: {  	[smem:$0x3FAB] =	sst s9;
	s0 =	simm.s32 @!p0 $0x0  }
0x12: {  	s1 =	sld [smem:$0x3F91];
	s0 =	simm.s32 @p0 $0x1  }
0x13: {  	[smem:$0x3FAC] =	sst s0;
	s0 =	simm.s32 @!p1 $0x0  }
0x14: {  	s2 =	sld [smem:$0x3F90];
	s0 =	simm.s32 @p1 $0x1  }
0x15: {  	[smem:$0x3FAD] =	sst s0;
	s0 =	simm.s32 @!p2 $0x0  }
0x16: {  	s3 =	sld [smem:$0x3FDB];
	s0 =	simm.s32 @p2 $0x1  }
0x17: {  	s4 =	simm.s32 $0x1BF5;
	[smem:$0x3FAF] =	sst s0  }
0x18: {  	s0 =	sld [smem:$0x3F92];
	_ =	swait.ge [sflag:s4], $0x0  }
0x19: {  	s7 =	sld [smem:$0x3F93]  }
0x1a: {  	s8 =	sadd.s32 $0xFFFFE003, lr  }
0x1b: {  	s9 =	sadd.s32 $0xFFFFFEF7, lr;
	s5 =	simm.s32 $0xFFFFFFFF;
	p2 =	slt.u32 s8, $0xFFFFF086  }
0x1c: {  	p1 =	slt.u32 s9, $0xF7A;
	s5 =	simm.s32 @!p2 $0x0  }
0x1d: {  	s5 =	simm.s32 @p1 $0x1;
	p0 =	seq.s32 s7, s2  }
0x1e: {  	s7 =	smul.u32 @!p0 $0xF7A, s2;
	p2 =	seq.s32 @!p0 s5, $0x0  }
0x1f: {  	s9 =	smul.u32 $0xF7A, s1;
	s8 =	simm.s32 @!p0 $0x1BF5;
	p2 =	por !p2, p0  }
0x20: {  	[sflag:s8] =	ssyncset.s32 @!p0 $0xFFFFF086;
	s6 =	sadd.s32 @!p0 s3, s7;
	s7 =	simm.s32 @!p0 $0x108  }
0x21: {  	s3 =	sadd.s32 s3, s9;
	s6 =	sadd.s32 @!p0 $0x88, s6;
	s7 =	simm.s32 @p2 $0x1082  }
0x22: {  	[simem:s7], [sflag:s8] =	dma.local @!p0 [hbm:s6], $0xF7A  }
0x23: {  	s9 =	sor.u32 $0xD0000000, s2;
	s6 =	simm.s32 $0x108;
	_ =	swait.ge @!p0 [sflag:s8], $0x0  }
0x24: {  	s3 =	sadd.s32 $0x88, s3;
	s6 =	simm.s32 @!p1 $0x1082;
	[sflag:s4] =	ssyncset.s32 $0xFFFFF086  }
0x25: {  	[simem:s6], [sflag:s4] =	dma.local [hbm:s3], $0xF7A  }
0x26: {  	[smem:$0x3F93] =	sst s1;
	(tag) =	ssettag s2;
	_ =	strace s9  }
0x27: {  	s1 =	sld [smem:$0x3FA3]  }
0x28: {  	s2 =	sld [smem:$0x3FA4]  }
0x29: {  	s4 =	sld [smem:$0x3FA6]  }
0x2a: {  	p0 =	seq.s32 s5, $0x0;
	s5 =	sld [smem:$0x3FA7]  }
0x2b: {  	s6 =	sld [smem:$0x3FA8]  }
0x2c: {  	s7 =	sld [smem:$0x3FA9]  }
0x2d: {  	s3 =	simm.s32 $0x108;
	s8 =	sld [smem:$0x3FAA]  }
0x2e: {  	s3 =	simm.s32 @!p0 $0x1082;
	s9 =	sld [smem:$0x3FAB]  }
0x2f: {  	lr =	sadd.s32 s0, s3;
	s0 =	sld [smem:$0x3FA2]  }
0x30: {  	s3 =	sld [smem:$0x3FA5]  }
0x31: {  	[smem:$0x3FAE] =	sst s10  }
0x32: {  	s10 =	sld [smem:$0x3FAC];
	_ =	sdelay $0x3  }
0x33: {  	p0 =	seq.s32 s10, $0x1;
	s10 =	sld [smem:$0x3FAE];
	_ =	sdelay $0x3  }
0x34: {  	[smem:$0x3FAE] =	sst s10  }
0x35: {  	s10 =	sld [smem:$0x3FAD];
	_ =	sdelay $0x3  }
0x36: {  	p1 =	seq.s32 s10, $0x1;
	s10 =	sld [smem:$0x3FAE];
	_ =	sdelay $0x3  }
0x37: {  	[smem:$0x3FAE] =	sst s10  }
0x38: {  	s10 =	sld [smem:$0x3FAF]  }
0x39: {  	_ = 	snop;
	(pc) =	sbr.ind lr, $3  }
0x3a: {  	_ = 	snop  }
0x3b: {  	_ = 	snop  }
0x3c: {  	p2 =	seq.s32 s10, $0x1;
	s10 =	sld [smem:$0x3FAE]  }
0x3d: {  	_ =	shalt  }
0x3e: {  	_ =	shalt  }
0x3f: {  	_ =	shalt  }
0x40: {  	_ =	shalt  }
0x41: {  	_ =	shalt  }
0x42: {  	_ =	shalt  }
0x43: {  	_ =	shalt  }
0x44: {  	_ =	shalt  }
0x45: {  	_ =	shalt  }
0x46: {  	_ =	shalt  }
0x47: {  	_ =	shalt  }
0x48: {  	_ =	shalt  }
0x49: {  	_ =	shalt  }
0x4a: {  	_ =	shalt  }
0x4b: {  	_ =	shalt  }
0x4c: {  	_ =	shalt  }
0x4d: {  	_ =	shalt  }
0x4e: {  	_ =	shalt  }
0x4f: {  	_ =	shalt  }
0x50: {  	_ =	shalt  }
0x51: {  	_ =	shalt  }
0x52: {  	_ =	shalt  }
0x53: {  	_ =	shalt  }
0x54: {  	_ =	shalt  }
0x55: {  	_ =	shalt  }
0x56: {  	_ =	shalt  }
0x57: {  	_ =	shalt  }
0x58: {  	_ =	shalt  }
0x59: {  	_ =	shalt  }
0x5a: {  	_ =	shalt  }
0x5b: {  	_ =	shalt  }
0x5c: {  	_ =	shalt  }
0x5d: {  	_ =	shalt  }
0x5e: {  	_ =	shalt  }
0x5f: {  	_ =	shalt  }
0x60: {  	_ =	shalt  }
0x61: {  	_ =	shalt  }
0x62: {  	_ =	shalt  }
0x63: {  	_ =	shalt  }
0x64: {  	_ =	shalt  }
0x65: {  	_ =	shalt  }
0x66: {  	_ =	shalt  }
0x67: {  	_ =	shalt  }
0x68: {  	_ =	shalt  }
0x69: {  	_ =	shalt  }
0x6a: {  	_ =	shalt  }
0x6b: {  	_ =	shalt  }
0x6c: {  	_ =	shalt  }
0x6d: {  	_ =	shalt  }
0x6e: {  	_ =	shalt  }
0x6f: {  	_ =	shalt  }
0x70: {  	_ =	shalt  }
0x71: {  	_ =	shalt  }
0x72: {  	_ =	shalt  }
0x73: {  	_ =	shalt  }
0x74: {  	_ =	shalt  }
0x75: {  	_ =	shalt  }
0x76: {  	_ =	shalt  }
0x77: {  	_ =	shalt  }
0x78: {  	_ =	shalt  }
0x79: {  	_ =	shalt  }
0x7a: {  	_ =	shalt  }
0x7b: {  	_ =	shalt  }
0x7c: {  	_ =	shalt  }
0x7d: {  	_ =	shalt  }
0x7e: {  	_ =	shalt  }
0x7f: {  	_ =	shalt  }
0x80: {  	_ =	shalt  }
0x81: {  	_ =	shalt  }
0x82: {  	_ =	shalt  }
0x83: {  	_ =	shalt  }
0x84: {  	_ =	shalt  }
0x85: {  	_ =	shalt  }
0x86: {  	_ =	shalt  }
0x87: {  	_ =	shalt  }
.Lfunc_end0:
.L_simem_size_0:
called_computation.1_lowered:
.L_overlay_start_0:
0x88: {  	s2 =	sld [smem:$0x3FD9]  }
0x89: {  	s3 =	sld [smem:$0x3FFE];
	_ =	sdelay $0x1  }
0x8a: {  	s1 =	srdreg.scid  }
0x8b: {  	s0 =	sand.u32 $0x1, s1  }
0x8c: {  	s17 =	sshll.u32 s0, $0xA;
	s2 =	sadd.s32 s3, s2  }
0x8d: {  	s2 =	sadd.s32 s2, s17  }
0x8e: {  	[smem:$0x3FBA] =	sst s2  }
0x8f: {  	_ = 	snop  }
0x90: {  	(tm) =	ssettm $0x1  }
0x91: {  	s18 =	sld [smem:$0x3FFB];
	_ =	sdelay $0x3  }
0x92: {  	_ =	strace s18  }
0x93: {  	s2 =	sld [smem:$0x3FFC];
	_ =	sdelay $0x3  }
0x94: {  	_ =	strace s2  }
0x95: {  	s2 =	sld [smem:$0x3FFD];
	_ =	sdelay $0x3  }
0x96: {  	_ =	strace s2  }
0x97: {  	_ =	strace $0x8FFFFFFF  }
0x98: {  	s19 =	sld [smem:$0x3FDB];
	_ =	sdelay $0x1  }
0x99: {  	s20 =	simm.s32 $_scs_section_size  }
0x9a: {  	s4 =	simm.s32 $_size__tile_overlayer_lowered;
	s5 =	simm.s32 $_tile_overlayer_lowered  }
0x9b: {  	s6 =	simm.s32 $0x1BFF;
	s21 =	sshll.u32 s5, $0x1;
	s3 =	sadd.s32 s20, s19  }
0x9c: {  	s22 =	simm.s32 $0x0;
	s4 =	sshll.u32 s4, $0x1;
	s5 =	sadd.s32 s21, s3  }
0x9d: {  	[timem:s22], [sflag:s6] =	dma.local [hbm:s5], s4  }
0x9e: {  	_ =	swait.ge [sflag:s6], s4  }
0x9f: {  	s4 =	ssub.s32 $0x0, s4;
	[sflag:s6] =	ssyncset.done $0x0  }
0xa0: {  	[sflag:s6] =	ssyncadd.s32 s4;
	_ =	sdelay $0x1  }
0xa1: {  	s23 =	simm.s32 $0x1B8B  }
0xa2: {  	_ =	swait.ge [sflag:s23], $0x1  }
0xa3: {  	[sflag:s23] =	ssyncset.done $0x0  }
0xa4: {  	[sflag:s23] =	ssyncadd.s32 $0xFFFFFFFF  }
0xa5: {  	s4 =	sld [smem:$0x0]  }
0xa6: {  	s5 =	sand.u32 $0xFFFFFFFE, s1  }
0xa7: {  	p0 =	sne.s32 s1, s5  }
0xa8: {  	s5 =	sshll.u32 @p0 s5, $0xE  }
0xa9: {  	s5 =	sadd.s32 @p0 $0x11B8D, s5;
	s6 =	sshll.u32 @p0 s4, $0x11  }
0xaa: {  	s5 =	sor.u32 @p0 s6, s5  }
0xab: {  	[sflag:s5] =	ssyncadd.remote.s32 @p0 $0x1;
	_ =	sdelay $0x1  }
0xac: {  	s5 =	simm.s32 @p0 $0x1B8D  }
0xad: {  	_ =	swait.eq @p0 [sflag:s5], $0x1  }
0xae: {  	[sflag:s5] =	ssyncadd.s32 @p0 $0xFFFFFFFF  }
0xaf: {  	s6 =	sshll.u32 @!p0 s1, $0xE  }
0xb0: {  	s6 =	sor.u32 @!p0 $0x4000, s6;
	s5 =	simm.s32 @!p0 $0x1B8D  }
0xb1: {  	s4 =	sshll.u32 @!p0 s4, $0x11;
	s6 =	sadd.s32 @!p0 $0x11B8D, s6;
	_ =	swait.eq @!p0 [sflag:s5], $0x1  }
0xb2: {  	s4 =	sor.u32 @!p0 s4, s6;
	[sflag:s5] =	ssyncadd.s32 @!p0 $0xFFFFFFFF  }
0xb3: {  	s25 =	simm.s32 $0x1B8E;
	s24 =	sld [smem:$0x3FFE];
	[sflag:s4] =	ssyncadd.remote.s32 @!p0 $0x1  }
0xb4: {  	s26 =	simm.s32 $execute0_lowered;
	[smem:$0x3FD2] =	sst s25  }
0xb5: {  	s5 =	sshll.u32 s26, $0x1;
	_ =	strace $0x8000004C;
	[dreg:$0x1] =	wrdreg $0xFFFFFFFF  }
0xb6: {  	s28 =	simm.s32 $_size_execute0_lowered;
	s3 =	sadd.s32 s3, s5;
	[dreg:$0x0] =	wrdreg $0x0  }
0xb7: {  	s5 =	sshll.u32 s28, $0x1;
	[dreg:$0x2] =	wrdreg s3  }
0xb8: {  	[dreg:$0x3] =	wrdreg s5  }
0xb9: {  	[dreg:$0x4] =	wrdreg $0xC0  }
0xba: {  	_ =	task [dreg:s22], $0x5FFFF  }
0xbb: {  	[dreg:$0x1] =	wrdreg $0xFFFFFFFF  }
0xbc: {  	[dreg:$0x0] =	wrdreg $0x60  }
0xbd: {  	[dreg:$0x2] =	wrdreg s24  }
0xbe: {  	[dreg:$0x3] =	wrdreg $0x51000  }
0xbf: {  	[dreg:$0x4] =	wrdreg $0x9  }
0xc0: {  	_ =	task.clear_ibuf [dreg:s22], $0x5FFFF;
	_ =	strace $0x9000004C  }
0xc1: {  	s29 =	simm.s32 $0x9;
	_ =	strace $0x8000004E  }
0xc2: {  	_ =	swait.ge [sflag:s29], $0x1  }
0xc3: {  	[sflag:s29] =	ssyncadd.s32 $0xFFFFFFFF  }
0xc4: {  	_ =	strace $0x9000004E  }
0xc5: {  	_ =	sfence  }
0xc6: {  	s30 =	sld [smem:$0x0];
	_ =	sdelay $0x2  }
0xc7: {  	s31 =	sshll.u32 s1, $0xD;
	s1 =	sshrl.u32 s1, $0x2  }
0xc8: {  	s4 =	sand.u32 $0x4000, s31;
	s1 =	sadd.s32 s1, s30  }
0xc9: {  	s0 =	sor.u32 s4, s0;
	s1 =	sshll.u32 s1, $0x11  }
0xca: {  	s0 =	sor.u32 s1, s0  }
0xcb: {  	s0 =	sadd.s32 $0x8F2B, s0  }
0xcc: {  	[sflag:s0] =	ssyncadd.remote.s32 $0x1  }
0xcd: {  	_ =	sfence.sel $0xFFFF  }
0xce: {  	[dreg:$0x0] =	wrdreg $0xFFFFFFFF;
	(pc) =	sbr.abs _section_cstart, $3  }
0xcf: {  	[dreg:$0x1] =	wrdreg $0xFFFFFFFF  }
0xd0: {  	_ =	task.clear_ibuf [dreg:s22], $0x2FFFF;
	_ =	strace $0x9FFFFFFF  }
0xd1: {  	(tm) =	ssettm $0x7FFFFFFF  }
tec
execute0_lowered:
.L_overlay_start_1:
0x0: {  	(tag) =	ssettag $0x1  }
0x1: {  	s5 =	rddreg [dreg:$0x0]  }
0x2: {  	s1 =	rddreg [dreg:$0x1];
	s2 =	stileid.u32  }
0x3: {  	s0 =	rddreg [dreg:$0x2];
	s6 =	smul.u32 $0x2800, s2  }
0x4: {  	s3 =	simm.s32 $0x0;
	s4 =	srdreg.scid;
	s12 =	smul.u32 $0x50000, s2  }
0x5: {  	s18 =	simm.s32 $0x4;
	s19 =	simm.s32 $0x0;
	s25 =	smul.u32 $0x4E200, s2  }
0x6: {  	[smem:$0x7FF] =	sst s3;
	s8 =	sand.u32 $0x1, s4;
	s30 =	smul.u32 $0x4E20, s2  }
0x7: {  	s10 =	sadd.s32 $0xEE3C00, s5;
	s4 =	sadd.s32 $0xCC00, s5;
	s7 =	smul.u32 $0x28000, s8  }
0x8: {  	s9 =	sshll.u32 s2, $0x1;
	s28 =	sshll.u32 s2, $0x6;
	s26 =	smul.u32 $0x27100, s8  }
0x9: {  	_ =	strace $0x8000004D;
	s9 =	sor.u32 s8, s9;
	s17 =	smul.u32 $0x2710, s8  }
0xa: {  	s22 =	ssub.s32 $0x2, s8;
	s11 =	sadd.s32 s6, s5;
	s13 =	smul.u32 $0x2710, s9  }
0xb: {  	s23 =	sshrl.u32 s22, $0x1;
	s9 =	smul.u32 $0x27100, s9;
	s24 =	sshrl.u32 s12, $0x2  }
0xc: {  	s12 =	sadd.s32 s25, s10;
	s6 =	sadd.s32 s6, s7;
	s15 =	ssub.s32 s22, s23  }
0xd: {  	s16 =	sadd.s32 s24, s1;
	s31 =	sadd.s32 s17, s30;
	s17 =	simm.s32 $0x50  }
0xe: {  	s14 =	sadd.s32 s6, s5;
	s5 =	sadd.s32 $0x16A00, s11;
	s29 =	sshrl.u32 s13, $0x3  }
0xf: {  	s6 =	sor.u32 $0x1C03, s28;
	s8 =	sadd.s32 s10, s9;
	s10 =	smax.u32 s15, $0x1  }
0x10: {  	s11 =	sadd.s32 s26, s12;
	s12 =	sadd.s32 $0x50, s31;
	s13 =	sshrl.u32 s16, $0x3  }
0x11: {  	s15 =	simm.s32 $0x100;
	s16 =	simm.s32 $0x1;
	s7 =	sadd.s32 s4, s29  }
0x12: {  	s9 =	sadd.s32 $0x8EA00, s14;
	s11 =	sadd.s32 $0x500, s11;
	s14 =	simm.s32 $0x3  }
.LBB2_1:
0x13: {  	[spmem:s13], [sflag:s6] =	dma.local [hbm:s5], $0x2800  }
0x14: {  	_ =	swait.ge [sflag:s14], $0x2800  }
0x15: {  	[sflag:s14] =	ssyncset.done $0x0  }
0x16: {  	s20 =	sand.u32 $0x1, s3;
	[sflag:s14] =	ssyncadd.s32 $0xFFFFD800  }
0x17: {  	p0 =	seq.s32 s20, $0x1;
	[bflag:$0x0] =	sbarrier.arrive $0xFFFF  }
0x18: {  	[tilespmem:s3], [sflag:$0x1] =	stream.linear.gather [hbm4b:s7+s3], $0x50, $0x38;
	[tilespmem:$0x19100] =	vst v63  }
0x19: {  	s20 =	simm.s32 @p0 $0x2  }
0x1a: {  	[tilespmem:s15], [sflag:$0x1] =	stream.linear.gather [hbm4b:s8+s3], $0x2800, $0x38;
	[tilespmem:$0x19100] =	vst v63  }
0x1b: {  	_ =	swait.ge @p0 [sflag:s20], $0x50  }
0x1c: {  	[sflag:s20] =	ssyncset.done @p0 $0x0  }
0x1d: {  	[sflag:s20] =	ssyncadd.s32 @p0 $0xFFFFFFB0  }
0x1e: {  	_ =	swait.ge @p0 [sflag:s20], $0x2800  }
0x1f: {  	s21 =	sshrl.u32 @p0 s12, $0x3;
	[sflag:s20] =	ssyncset.done @p0 $0x0  }
0x20: {  	s21 =	sadd.s32 @p0 s4, s21;
	[sflag:s20] =	ssyncadd.s32 @p0 $0xFFFFD800;
	s20 =	simm.s32 @p0 $0x0  }
0x21: {  	[tilespmem:s20], [sflag:$0x1] =	stream.linear.gather @p0 [hbm4b:s21+s20], $0x50, $0x38;
	[tilespmem:$0x19100] =	vst v63  }
0x22: {  	s22 =	simm.s32 @!p0 $0x1;
	s21 =	simm.s32 @p0 $0x100  }
0x23: {  	[tilespmem:s21], [sflag:$0x1] =	stream.linear.gather @p0 [hbm4b:s11+s20], $0x2800, $0x38;
	[tilespmem:$0x19100] =	vst v63  }
0x24: {  	s23 =	simm.s32 @p0 $0x2900;
	s20 =	simm.s32 @p0 $0x50;
	s21 =	simm.s32 @p0 $0x80  }
0x25: {  	[spmem:s1] =	stream.indirect.scatter.add.f32 @p0 [tilespmem:s23], [sflag:$0x3], $0x80, s21, s20, $0xb8;
	[tilespmem:$0x19100] =	vst v63  }
0x26: {  	_ =	swait.ge @!p0 [sflag:s22], $0x50  }
0x27: {  	[sflag:s22] =	ssyncset.done @!p0 $0x0  }
0x28: {  	[sflag:s22] =	ssyncadd.s32 @!p0 $0xFFFFFFB0  }
0x29: {  	_ =	swait.ge @!p0 [sflag:s22], $0x2800  }
0x2a: {  	s20 =	sshrl.u32 @!p0 s12, $0x3;
	s21 =	simm.s32 @!p0 $0x0;
	[sflag:s22] =	ssyncset.done @!p0 $0x0  }
0x2b: {  	s20 =	sadd.s32 @!p0 s4, s20;
	[sflag:s22] =	ssyncadd.s32 @!p0 $0xFFFFD800;
	s22 =	simm.s32 @!p0 $0x80  }
0x2c: {  	[tilespmem:s22], [sflag:$0x2] =	stream.linear.gather @!p0 [hbm4b:s20+s21], $0x50, $0x38;
	[tilespmem:$0x19100] =	vst v63  }
0x2d: {  	s31 =	simm.s32 $0x1;
	s23 =	simm.s32 @!p0 $0x4;
	s22 =	simm.s32 @!p0 $0x2900  }
0x2e: {  	[tilespmem:s22], [sflag:$0x2] =	stream.linear.gather @!p0 [hbm4b:s11+s21], $0x2800, $0x38;
	[tilespmem:$0x19100] =	vst v63  }
0x2f: {  	s24 =	simm.s32 @!p0 $0x100;
	s23 =	simm.s32 @p0 $0x3;
	s22 =	simm.s32 @!p0 $0x50  }
0x30: {  	[spmem:s1] =	stream.indirect.scatter.add.f32 @!p0 [tilespmem:s24], [sflag:$0x4], $0x80, s21, s22, $0xb8;
	[tilespmem:$0x19100] =	vst v63  }
0x31: {  	s20 =	sadd.s32 $0x500, s11;
	s22 =	simm.s32 $0x2;
	_ =	swait.ge [sflag:s23], $0x2800  }
0x32: {  	s21 =	sadd.s32 $0x50, s12;
	s24 =	sand.u32 $0x1, s31;
	[sflag:s23] =	ssyncset.done $0x0  }
.LBB2_2:
0x33: {  	p0 =	seq.s32 s24, $0x1  }
0x34: {  	[sflag:s23] =	ssyncadd.s32 $0xFFFFD800;
	s24 =	smov.u32 s22;
	s22 =	sadd.s32 $0x1, s22  }
0x35: {  	s25 =	simm.s32 @p0 $0x2;
	s23 =	sshrl.u32 @p0 s21, $0x3;
	s26 =	sshrl.u32 @!p0 s21, $0x3  }
0x36: {  	_ =	swait.ge @p0 [sflag:s25], $0x50;
	s28 =	sadd.s32 @p0 s4, s23;
	s26 =	sadd.s32 @!p0 s4, s26  }
0x37: {  	p1 =	sne.s32 s22, $0x7C;
	s23 =	simm.s32 @!p0 $0x4;
	[sflag:s25] =	ssyncset.done @p0 $0x0  }
0x38: {  	[sflag:s25] =	ssyncadd.s32 @p0 $0xFFFFFFB0  }
0x39: {  	_ =	swait.ge @p0 [sflag:s25], $0x2800  }
0x3a: {  	[sflag:s25] =	ssyncset.done @p0 $0x0  }
0x3b: {  	[sflag:s25] =	ssyncadd.s32 @p0 $0xFFFFD800;
	s25 =	simm.s32 @p0 $0x0  }
0x3c: {  	[tilespmem:s25], [sflag:$0x1] =	stream.linear.gather @p0 [hbm4b:s28+s25], $0x50, $0x38;
	[tilespmem:$0x19100] =	vst v63  }
0x3d: {  	s29 =	simm.s32 @!p0 $0x1;
	s28 =	simm.s32 @p0 $0x100  }
0x3e: {  	[tilespmem:s28], [sflag:$0x1] =	stream.linear.gather @p0 [hbm4b:s20+s25], $0x2800, $0x38;
	[tilespmem:$0x19100] =	vst v63  }
0x3f: {  	s30 =	simm.s32 @p0 $0x2900;
	s25 =	simm.s32 @p0 $0x50;
	s28 =	simm.s32 @p0 $0x80  }
0x40: {  	[spmem:s1] =	stream.indirect.scatter.add.f32 @p0 [tilespmem:s30], [sflag:$0x3], $0x80, s28, s25, $0xb8;
	[tilespmem:$0x19100] =	vst v63  }
0x41: {  	_ =	swait.ge @!p0 [sflag:s29], $0x50  }
0x42: {  	[sflag:s29] =	ssyncset.done @!p0 $0x0  }
0x43: {  	[sflag:s29] =	ssyncadd.s32 @!p0 $0xFFFFFFB0  }
0x44: {  	_ =	swait.ge @!p0 [sflag:s29], $0x2800  }
0x45: {  	[sflag:s29] =	ssyncset.done @!p0 $0x0  }
0x46: {  	s25 =	simm.s32 @!p0 $0x0;
	s28 =	simm.s32 @!p0 $0x80;
	[sflag:s29] =	ssyncadd.s32 @!p0 $0xFFFFD800  }
0x47: {  	[tilespmem:s28], [sflag:$0x2] =	stream.linear.gather @!p0 [hbm4b:s26+s25], $0x50, $0x38;
	[tilespmem:$0x19100] =	vst v63  }
0x48: {  	s26 =	simm.s32 @!p0 $0x2900  }
0x49: {  	[tilespmem:s26], [sflag:$0x2] =	stream.linear.gather @!p0 [hbm4b:s20+s25], $0x2800, $0x38;
	[tilespmem:$0x19100] =	vst v63  }
.Ltmp0:
0x4a: {  	_ = 	snop;
	(pc) =	sbr.rel @p1 .LBB2_2-.Ltmp0, $4  }
0x4b: {  	s23 =	simm.s32 @p0 $0x3;
	s28 =	simm.s32 @!p0 $0x100;
	s26 =	simm.s32 @!p0 $0x50  }
0x4c: {  	[spmem:s1] =	stream.indirect.scatter.add.f32 @!p0 [tilespmem:s28], [sflag:$0x4], $0x80, s25, s26, $0xb8;
	[tilespmem:$0x19100] =	vst v63  }
0x4d: {  	s21 =	sadd.s32 $0x50, s21;
	_ =	swait.ge [sflag:s23], $0x2800  }
0x4e: {  	s24 =	sand.u32 $0x1, s24;
	s20 =	sadd.s32 $0x500, s20;
	[sflag:s23] =	ssyncset.done $0x0  }
0x4f: {  	p0 =	seq.s32 s24, $0x1  }
0x50: {  	[sflag:s23] =	ssyncadd.s32 $0xFFFFD800;
	s22 =	simm.s32 @p0 $0x2  }
0x51: {  	_ =	swait.ge @p0 [sflag:s22], $0x50  }
0x52: {  	[sflag:s22] =	ssyncset.done @p0 $0x0  }
0x53: {  	[sflag:s22] =	ssyncadd.s32 @p0 $0xFFFFFFB0  }
0x54: {  	_ =	swait.ge @p0 [sflag:s22], $0x2800  }
0x55: {  	s23 =	sshrl.u32 @p0 s21, $0x3;
	[sflag:s22] =	ssyncset.done @p0 $0x0  }
0x56: {  	s23 =	sadd.s32 @p0 s4, s23;
	[sflag:s22] =	ssyncadd.s32 @p0 $0xFFFFD800;
	s22 =	simm.s32 @p0 $0x0  }
0x57: {  	[tilespmem:s22], [sflag:$0x1] =	stream.linear.gather @p0 [hbm4b:s23+s22], $0x50, $0x38;
	[tilespmem:$0x19100] =	vst v63  }
0x58: {  	s24 =	simm.s32 @!p0 $0x1;
	s23 =	simm.s32 @p0 $0x100  }
0x59: {  	[tilespmem:s23], [sflag:$0x1] =	stream.linear.gather @p0 [hbm4b:s20+s22], $0x2800, $0x38;
	[tilespmem:$0x19100] =	vst v63  }
0x5a: {  	s25 =	simm.s32 @p0 $0x2900;
	s22 =	simm.s32 @p0 $0x50;
	s23 =	simm.s32 @p0 $0x80  }
0x5b: {  	[spmem:s1] =	stream.indirect.scatter.add.f32 @p0 [tilespmem:s25], [sflag:$0x3], $0x80, s23, s22, $0xb8;
	[tilespmem:$0x19100] =	vst v63  }
0x5c: {  	_ =	swait.ge @!p0 [sflag:s24], $0x50  }
0x5d: {  	[sflag:s24] =	ssyncset.done @!p0 $0x0  }
0x5e: {  	[sflag:s24] =	ssyncadd.s32 @!p0 $0xFFFFFFB0  }
0x5f: {  	s21 =	sshrl.u32 @!p0 s21, $0x3;
	_ =	swait.ge @!p0 [sflag:s24], $0x2800  }
0x60: {  	s21 =	sadd.s32 @!p0 s4, s21;
	[sflag:s24] =	ssyncset.done @!p0 $0x0  }
0x61: {  	s22 =	simm.s32 @!p0 $0x0;
	s23 =	simm.s32 @!p0 $0x80;
	[sflag:s24] =	ssyncadd.s32 @!p0 $0xFFFFD800  }
0x62: {  	[tilespmem:s23], [sflag:$0x2] =	stream.linear.gather @!p0 [hbm4b:s21+s22], $0x50, $0x38;
	[tilespmem:$0x19100] =	vst v63  }
0x63: {  	s21 =	simm.s32 @!p0 $0x4;
	s23 =	simm.s32 @!p0 $0x2900  }
0x64: {  	[tilespmem:s23], [sflag:$0x2] =	stream.linear.gather @!p0 [hbm4b:s20+s22], $0x2800, $0x38;
	[tilespmem:$0x19100] =	vst v63  }
0x65: {  	s21 =	simm.s32 @p0 $0x3;
	s20 =	simm.s32 @!p0 $0x50;
	s23 =	simm.s32 @!p0 $0x100  }
0x66: {  	[spmem:s1] =	stream.indirect.scatter.add.f32 @!p0 [tilespmem:s23], [sflag:$0x4], $0x80, s22, s20, $0xb8;
	[tilespmem:$0x19100] =	vst v63  }
0x67: {  	_ =	swait.ge [sflag:s21], $0x2800  }
0x68: {  	[sflag:s21] =	ssyncset.done $0x0  }
0x69: {  	[sflag:s21] =	ssyncadd.s32 $0xFFFFD800  }
0x6a: {  	_ =	swait.ge [sflag:s16], $0x50  }
0x6b: {  	[sflag:s16] =	ssyncset.done $0x0  }
0x6c: {  	[sflag:s16] =	ssyncadd.s32 $0xFFFFFFB0  }
0x6d: {  	_ =	swait.ge [sflag:s16], $0x2800  }
0x6e: {  	[sflag:s16] =	ssyncset.done $0x0  }
0x6f: {  	[sflag:s16] =	ssyncadd.s32 $0xFFFFD800  }
0x70: {  	[spmem:s1] =	stream.indirect.scatter.add.f32 [tilespmem:s15], [sflag:$0x4], $0x80, s3, s17, $0xb8;
	[tilespmem:$0x19100] =	vst v63  }
0x71: {  	_ =	swait.ge [sflag:s18], $0x2800  }
0x72: {  	s19 =	sadd.s32 $0x1, s19;
	[sflag:s18] =	ssyncset.done $0x0  }
0x73: {  	p0 =	sne.s32 s19, s10;
	[sflag:s18] =	ssyncadd.s32 $0xFFFFD800  }
.Ltmp1:
0x74: {  	[bflag:$0x0] =	sbarrier.arrive $0xFFFF;
	(pc) =	sbr.rel @p0 .LBB2_1-.Ltmp1, $4  }
0x75: {  	[hbm:s9], [sflag:s6] =	dma.local [spmem:s13], $0x2800  }
0x76: {  	_ =	swait.ge [sflag:s14], $0x2800  }
0x77: {  	[sflag:s14] =	ssyncset.done $0x0  }
0x78: {  	[sflag:s14] =	ssyncadd.s32 $0xFFFFD800  }
0x79: {  	_ =	sfence.sel $0x180000  }
0x7a: {  	[bflag:$0x0] =	sbarrier.arrive $0xFFFF  }
0x7b: {  	p0 =	sne.s32 s2, $0x0;
	_ =	strace $0x9000004D  }
0x7c: {  	s0 =	sadd.s32 @!p0 $0x100000, s0;
	[bflag:$0x2] =	sbarrier.arrive $0xFFFF  }
0x7d: {  	[sflag:s0] =	ssyncadd.tile.s32 @!p0 $0x1;
	_ =	shalt  }
.Lfunc_end2:
_tile_overlayer_lowered:
.L_overlay_start_2:
0x7e: {  	(tag) =	ssettag $0x2  }
0x7f: {  	s0 =	rddreg [dreg:$0x0];
	s2 =	stileid.u32  }
0x80: {  	s1 =	rddreg [dreg:$0x1];
	p0 =	sne.s32 s2, $0x0  }
0x81: {  	s3 =	rddreg [dreg:$0x2];
	[bflag:$0x3] =	sbarrier.arrive $0xFFFF;
	s2 =	simm.s32 @!p0 $0x1C03  }
0x82: {  	[timem:s3], [sflag:s2] =	dma.local @!p0 [hbm:s0], s1  }
0x83: {  	s0 =	simm.s32 @!p0 $0x3  }
0x84: {  	_ =	swait.ge @!p0 [sflag:s0], s1  }
0x85: {  	s1 =	ssub.s32 @!p0 $0x0, s1;
	[sflag:s0] =	ssyncset.done @!p0 $0x0  }
0x86: {  	[sflag:s0] =	ssyncadd.s32 @!p0 s1  }
0x87: {  	[bflag:$0x3] =	sbarrier.arrive $0xFFFF  }
0x88: {  	_ =	shalt  }

// kernel: kernel.14.cloned.1.call-start
scs
__scs_entry_jumppad:
0x0: {  	(pc) =	sbr.rel $0x88, $3  }
0x1: {  	(tag) =	ssettag $0x0;
	lr =	simm.s32 $0x1  }
0x2: {  	[smem:$0x3F93] =	sst lr;
	_ =	strace $0xD0000000  }
0x3: {  	_ = 	snop  }
0x4: {  	_ = 	snop  }
0x5: {  	_ = 	snop  }
0x6: {  	_ = 	snop  }
0x7: {  	_ = 	snop  }
__scs_overlays_trampoline_lowered:
0x8: {  	[smem:$0x3FA2] =	sst s0  }
0x9: {  	[smem:$0x3FA3] =	sst s1  }
0xa: {  	[smem:$0x3FA4] =	sst s2  }
0xb: {  	[smem:$0x3FA5] =	sst s3  }
0xc: {  	[smem:$0x3FA6] =	sst s4  }
0xd: {  	[smem:$0x3FA7] =	sst s5  }
0xe: {  	[smem:$0x3FA8] =	sst s6  }
0xf: {  	[smem:$0x3FA9] =	sst s7  }
0x10: {  	[smem:$0x3FAA] =	sst s8  }
0x11: {  	[smem:$0x3FAB] =	sst s9;
	s0 =	simm.s32 @!p0 $0x0  }
0x12: {  	s1 =	sld [smem:$0x3F91];
	s0 =	simm.s32 @p0 $0x1  }
0x13: {  	[smem:$0x3FAC] =	sst s0;
	s0 =	simm.s32 @!p1 $0x0  }
0x14: {  	s2 =	sld [smem:$0x3F90];
	s0 =	simm.s32 @p1 $0x1  }
0x15: {  	[smem:$0x3FAD] =	sst s0;
	s0 =	simm.s32 @!p2 $0x0  }
0x16: {  	s3 =	sld [smem:$0x3FDB];
	s0 =	simm.s32 @p2 $0x1  }
0x17: {  	s4 =	simm.s32 $0x1BF5;
	[smem:$0x3FAF] =	sst s0  }
0x18: {  	s0 =	sld [smem:$0x3F92];
	_ =	swait.ge [sflag:s4], $0x0  }
0x19: {  	s7 =	sld [smem:$0x3F93]  }
0x1a: {  	s8 =	sadd.s32 $0xFFFFE003, lr  }
0x1b: {  	s9 =	sadd.s32 $0xFFFFFEF7, lr;
	s5 =	simm.s32 $0xFFFFFFFF;
	p2 =	slt.u32 s8, $0xFFFFF086  }
0x1c: {  	p1 =	slt.u32 s9, $0xF7A;
	s5 =	simm.s32 @!p2 $0x0  }
0x1d: {  	s5 =	simm.s32 @p1 $0x1;
	p0 =	seq.s32 s7, s2  }
0x1e: {  	s7 =	smul.u32 @!p0 $0xF7A, s2;
	p2 =	seq.s32 @!p0 s5, $0x0  }
0x1f: {  	s9 =	smul.u32 $0xF7A, s1;
	s8 =	simm.s32 @!p0 $0x1BF5;
	p2 =	por !p2, p0  }
0x20: {  	[sflag:s8] =	ssyncset.s32 @!p0 $0xFFFFF086;
	s6 =	sadd.s32 @!p0 s3, s7;
	s7 =	simm.s32 @!p0 $0x108  }
0x21: {  	s3 =	sadd.s32 s3, s9;
	s6 =	sadd.s32 @!p0 $0x88, s6;
	s7 =	simm.s32 @p2 $0x1082  }
0x22: {  	[simem:s7], [sflag:s8] =	dma.local @!p0 [hbm:s6], $0xF7A  }
0x23: {  	s9 =	sor.u32 $0xD0000000, s2;
	s6 =	simm.s32 $0x108;
	_ =	swait.ge @!p0 [sflag:s8], $0x0  }
0x24: {  	s3 =	sadd.s32 $0x88, s3;
	s6 =	simm.s32 @!p1 $0x1082;
	[sflag:s4] =	ssyncset.s32 $0xFFFFF086  }
0x25: {  	[simem:s6], [sflag:s4] =	dma.local [hbm:s3], $0xF7A  }
0x26: {  	[smem:$0x3F93] =	sst s1;
	(tag) =	ssettag s2;
	_ =	strace s9  }
0x27: {  	s1 =	sld [smem:$0x3FA3]  }
0x28: {  	s2 =	sld [smem:$0x3FA4]  }
0x29: {  	s4 =	sld [smem:$0x3FA6]  }
0x2a: {  	p0 =	seq.s32 s5, $0x0;
	s5 =	sld [smem:$0x3FA7]  }
0x2b: {  	s6 =	sld [smem:$0x3FA8]  }
0x2c: {  	s7 =	sld [smem:$0x3FA9]  }
0x2d: {  	s3 =	simm.s32 $0x108;
	s8 =	sld [smem:$0x3FAA]  }
0x2e: {  	s3 =	simm.s32 @!p0 $0x1082;
	s9 =	sld [smem:$0x3FAB]  }
0x2f: {  	lr =	sadd.s32 s0, s3;
	s0 =	sld [smem:$0x3FA2]  }
0x30: {  	s3 =	sld [smem:$0x3FA5]  }
0x31: {  	[smem:$0x3FAE] =	sst s10  }
0x32: {  	s10 =	sld [smem:$0x3FAC];
	_ =	sdelay $0x3  }
0x33: {  	p0 =	seq.s32 s10, $0x1;
	s10 =	sld [smem:$0x3FAE];
	_ =	sdelay $0x3  }
0x34: {  	[smem:$0x3FAE] =	sst s10  }
0x35: {  	s10 =	sld [smem:$0x3FAD];
	_ =	sdelay $0x3  }
0x36: {  	p1 =	seq.s32 s10, $0x1;
	s10 =	sld [smem:$0x3FAE];
	_ =	sdelay $0x3  }
0x37: {  	[smem:$0x3FAE] =	sst s10  }
0x38: {  	s10 =	sld [smem:$0x3FAF]  }
0x39: {  	_ = 	snop;
	(pc) =	sbr.ind lr, $3  }
0x3a: {  	_ = 	snop  }
0x3b: {  	_ = 	snop  }
0x3c: {  	p2 =	seq.s32 s10, $0x1;
	s10 =	sld [smem:$0x3FAE]  }
0x3d: {  	_ =	shalt  }
0x3e: {  	_ =	shalt  }
0x3f: {  	_ =	shalt  }
0x40: {  	_ =	shalt  }
0x41: {  	_ =	shalt  }
0x42: {  	_ =	shalt  }
0x43: {  	_ =	shalt  }
0x44: {  	_ =	shalt  }
0x45: {  	_ =	shalt  }
0x46: {  	_ =	shalt  }
0x47: {  	_ =	shalt  }
0x48: {  	_ =	shalt  }
0x49: {  	_ =	shalt  }
0x4a: {  	_ =	shalt  }
0x4b: {  	_ =	shalt  }
0x4c: {  	_ =	shalt  }
0x4d: {  	_ =	shalt  }
0x4e: {  	_ =	shalt  }
0x4f: {  	_ =	shalt  }
0x50: {  	_ =	shalt  }
0x51: {  	_ =	shalt  }
0x52: {  	_ =	shalt  }
0x53: {  	_ =	shalt  }
0x54: {  	_ =	shalt  }
0x55: {  	_ =	shalt  }
0x56: {  	_ =	shalt  }
0x57: {  	_ =	shalt  }
0x58: {  	_ =	shalt  }
0x59: {  	_ =	shalt  }
0x5a: {  	_ =	shalt  }
0x5b: {  	_ =	shalt  }
0x5c: {  	_ =	shalt  }
0x5d: {  	_ =	shalt  }
0x5e: {  	_ =	shalt  }
0x5f: {  	_ =	shalt  }
0x60: {  	_ =	shalt  }
0x61: {  	_ =	shalt  }
0x62: {  	_ =	shalt  }
0x63: {  	_ =	shalt  }
0x64: {  	_ =	shalt  }
0x65: {  	_ =	shalt  }
0x66: {  	_ =	shalt  }
0x67: {  	_ =	shalt  }
0x68: {  	_ =	shalt  }
0x69: {  	_ =	shalt  }
0x6a: {  	_ =	shalt  }
0x6b: {  	_ =	shalt  }
0x6c: {  	_ =	shalt  }
0x6d: {  	_ =	shalt  }
0x6e: {  	_ =	shalt  }
0x6f: {  	_ =	shalt  }
0x70: {  	_ =	shalt  }
0x71: {  	_ =	shalt  }
0x72: {  	_ =	shalt  }
0x73: {  	_ =	shalt  }
0x74: {  	_ =	shalt  }
0x75: {  	_ =	shalt  }
0x76: {  	_ =	shalt  }
0x77: {  	_ =	shalt  }
0x78: {  	_ =	shalt  }
0x79: {  	_ =	shalt  }
0x7a: {  	_ =	shalt  }
0x7b: {  	_ =	shalt  }
0x7c: {  	_ =	shalt  }
0x7d: {  	_ =	shalt  }
0x7e: {  	_ =	shalt  }
0x7f: {  	_ =	shalt  }
0x80: {  	_ =	shalt  }
0x81: {  	_ =	shalt  }
0x82: {  	_ =	shalt  }
0x83: {  	_ =	shalt  }
0x84: {  	_ =	shalt  }
0x85: {  	_ =	shalt  }
0x86: {  	_ =	shalt  }
0x87: {  	_ =	shalt  }
.Lfunc_end0:
.L_simem_size_0:
called_computation.2_lowered:
.L_overlay_start_0:
0x88: {  	s2 =	sld [smem:$0x3FD9]  }
0x89: {  	s3 =	sld [smem:$0x3FFE];
	_ =	sdelay $0x1  }
0x8a: {  	s1 =	srdreg.scid  }
0x8b: {  	s0 =	sand.u32 $0x1, s1  }
0x8c: {  	s16 =	sshll.u32 s0, $0xA;
	s2 =	sadd.s32 s3, s2  }
0x8d: {  	s2 =	sadd.s32 s2, s16  }
0x8e: {  	[smem:$0x3FBA] =	sst s2  }
0x8f: {  	_ = 	snop  }
0x90: {  	(tm) =	ssettm $0x1  }
0x91: {  	s17 =	sld [smem:$0x3FFB];
	_ =	sdelay $0x3  }
0x92: {  	_ =	strace s17  }
0x93: {  	s2 =	sld [smem:$0x3FFC];
	_ =	sdelay $0x3  }
0x94: {  	_ =	strace s2  }
0x95: {  	s2 =	sld [smem:$0x3FFD];
	_ =	sdelay $0x3  }
0x96: {  	_ =	strace s2  }
0x97: {  	_ =	strace $0x8FFFFFFF  }
0x98: {  	s18 =	sld [smem:$0x3FDB];
	_ =	sdelay $0x1  }
0x99: {  	s19 =	simm.s32 $_scs_section_size  }
0x9a: {  	s4 =	simm.s32 $_size__tile_overlayer_lowered;
	s5 =	simm.s32 $_tile_overlayer_lowered  }
0x9b: {  	s22 =	simm.s32 $0x1BFF;
	s21 =	sshll.u32 s5, $0x1;
	s2 =	sadd.s32 s19, s18  }
0x9c: {  	s6 =	simm.s32 $0x0;
	s20 =	sshll.u32 s4, $0x1;
	s4 =	sadd.s32 s21, s2  }
0x9d: {  	[timem:s6], [sflag:s22] =	dma.local [hbm:s4], s20  }
0x9e: {  	_ =	swait.ge [sflag:s22], s20  }
0x9f: {  	s3 =	ssub.s32 $0x0, s20;
	[sflag:s22] =	ssyncset.done $0x0  }
0xa0: {  	[sflag:s22] =	ssyncadd.s32 s3;
	_ =	sdelay $0x1  }
0xa1: {  	s23 =	simm.s32 $0x1B8B  }
0xa2: {  	_ =	swait.ge [sflag:s23], $0x1  }
0xa3: {  	[sflag:s23] =	ssyncset.done $0x0  }
0xa4: {  	s25 =	simm.s32 $0x1B8E;
	s24 =	sld [smem:$0x3FFE];
	[sflag:s23] =	ssyncadd.s32 $0xFFFFFFFF  }
0xa5: {  	s26 =	simm.s32 $execute0_lowered;
	[smem:$0x3FD2] =	sst s25  }
0xa6: {  	s4 =	sshll.u32 s26, $0x1;
	_ =	strace $0x80000049;
	[dreg:$0x1] =	wrdreg $0xFFFFFFFF  }
0xa7: {  	s28 =	simm.s32 $_size_execute0_lowered;
	s2 =	sadd.s32 s2, s4;
	[dreg:$0x0] =	wrdreg $0x0  }
0xa8: {  	s4 =	sshll.u32 s28, $0x1;
	[dreg:$0x2] =	wrdreg s2  }
0xa9: {  	[dreg:$0x3] =	wrdreg s4  }
0xaa: {  	[dreg:$0x4] =	wrdreg $0xC0  }
0xab: {  	_ =	task [dreg:s6], $0x5FFFF  }
0xac: {  	[dreg:$0x1] =	wrdreg $0xFFFFFFFF  }
0xad: {  	[dreg:$0x0] =	wrdreg $0x60  }
0xae: {  	[dreg:$0x2] =	wrdreg s24  }
0xaf: {  	[dreg:$0x3] =	wrdreg $0x51000  }
0xb0: {  	[dreg:$0x4] =	wrdreg $0xA  }
0xb1: {  	_ =	task.clear_ibuf [dreg:s6], $0x5FFFF;
	_ =	strace $0x90000049  }
0xb2: {  	s29 =	simm.s32 $0xA;
	_ =	strace $0x8000004B  }
0xb3: {  	_ =	swait.ge [sflag:s29], $0x1  }
0xb4: {  	[sflag:s29] =	ssyncadd.s32 $0xFFFFFFFF  }
0xb5: {  	_ =	strace $0x9000004B  }
0xb6: {  	_ =	sfence  }
0xb7: {  	s30 =	sld [smem:$0x0];
	_ =	sdelay $0x2  }
0xb8: {  	s31 =	sshll.u32 s1, $0xD;
	s1 =	sshrl.u32 s1, $0x2  }
0xb9: {  	s3 =	sand.u32 $0x4000, s31;
	s1 =	sadd.s32 s1, s30  }
0xba: {  	s0 =	sor.u32 s3, s0;
	s1 =	sshll.u32 s1, $0x11  }
0xbb: {  	s0 =	sor.u32 s1, s0  }
0xbc: {  	s0 =	sadd.s32 $0x8F2B, s0  }
0xbd: {  	[sflag:s0] =	ssyncadd.remote.s32 $0x1  }
0xbe: {  	_ =	sfence.sel $0xFFFF  }
0xbf: {  	[dreg:$0x0] =	wrdreg $0xFFFFFFFF;
	(pc) =	sbr.abs _section_cstart, $3  }
0xc0: {  	[dreg:$0x1] =	wrdreg $0xFFFFFFFF  }
0xc1: {  	_ =	task.clear_ibuf [dreg:s6], $0x2FFFF;
	_ =	strace $0x9FFFFFFF  }
0xc2: {  	(tm) =	ssettm $0x7FFFFFFF  }
0xc3: {  	_ =	shalt  }
tec
execute0_lowered:
.L_overlay_start_1:
0x0: {  	(tag) =	ssettag $0x1  }
0x1: {  	s5 =	rddreg [dreg:$0x0]  }
0x2: {  	s1 =	rddreg [dreg:$0x1];
	s2 =	stileid.u32  }
0x3: {  	s0 =	rddreg [dreg:$0x2];
	s6 =	smul.u32 $0x2800, s2  }
0x4: {  	s3 =	simm.s32 $0x0;
	s4 =	srdreg.scid;
	s12 =	smul.u32 $0x50000, s2  }
0x5: {  	s18 =	simm.s32 $0x4;
	s19 =	simm.s32 $0x0;
	s25 =	smul.u32 $0x4E200, s2  }
0x6: {  	[smem:$0x7FF] =	sst s3;
	s8 =	sand.u32 $0x1, s4;
	s30 =	smul.u32 $0x4E20, s2  }
0x7: {  	s10 =	sadd.s32 $0xA01C00, s5;
	s4 =	sadd.s32 $0xCC00, s5;
	s7 =	smul.u32 $0x28000, s8  }
0x8: {  	s9 =	sshll.u32 s2, $0x1;
	s28 =	sshll.u32 s2, $0x6;
	s26 =	smul.u32 $0x27100, s8  }
0x9: {  	_ =	strace $0x8000004A;
	s9 =	sor.u32 s8, s9;
	s17 =	smul.u32 $0x2710, s8  }
0xa: {  	s22 =	ssub.s32 $0x2, s8;
	s11 =	sadd.s32 s6, s5;
	s13 =	smul.u32 $0x2710, s9  }
0xb: {  	s23 =	sshrl.u32 s22, $0x1;
	s9 =	smul.u32 $0x27100, s9;
	s24 =	sshrl.u32 s12, $0x2  }
0xc: {  	s12 =	sadd.s32 s25, s10;
	s6 =	sadd.s32 s6, s7;
	s15 =	ssub.s32 s22, s23  }
0xd: {  	s16 =	sadd.s32 s24, s1;
	s31 =	sadd.s32 s17, s30;
	s17 =	simm.s32 $0x50  }
0xe: {  	s14 =	sadd.s32 s6, s5;
	s5 =	sadd.s32 $0x16A00, s11;
	s29 =	sshrl.u32 s13, $0x3  }
0xf: {  	s6 =	sor.u32 $0x1C03, s28;
	s8 =	sadd.s32 s10, s9;
	s10 =	smax.u32 s15, $0x1  }
0x10: {  	s11 =	sadd.s32 s26, s12;
	s12 =	sadd.s32 $0x50, s31;
	s13 =	sshrl.u32 s16, $0x3  }
0x11: {  	s15 =	simm.s32 $0x100;
	s16 =	simm.s32 $0x1;
	s7 =	sadd.s32 s4, s29  }
0x12: {  	s9 =	sadd.s32 $0x3EA00, s14;
	s11 =	sadd.s32 $0x500, s11;
	s14 =	simm.s32 $0x3  }
.LBB2_1:
0x13: {  	[spmem:s13], [sflag:s6] =	dma.local [hbm:s5], $0x2800  }
0x14: {  	_ =	swait.ge [sflag:s14], $0x2800  }
0x15: {  	[sflag:s14] =	ssyncset.done $0x0  }
0x16: {  	s20 =	sand.u32 $0x1, s3;
	[sflag:s14] =	ssyncadd.s32 $0xFFFFD800  }
0x17: {  	p0 =	seq.s32 s20, $0x1;
	[bflag:$0x0] =	sbarrier.arrive $0xFFFF  }
0x18: {  	[tilespmem:s3], [sflag:$0x1] =	stream.linear.gather [hbm4b:s7+s3], $0x50, $0x38;
	[tilespmem:$0x19100] =	vst v63  }
0x19: {  	s20 =	simm.s32 @p0 $0x2  }
0x1a: {  	[tilespmem:s15], [sflag:$0x1] =	stream.linear.gather [hbm4b:s8+s3], $0x2800, $0x38;
	[tilespmem:$0x19100] =	vst v63  }
0x1b: {  	_ =	swait.ge @p0 [sflag:s20], $0x50  }
0x1c: {  	[sflag:s20] =	ssyncset.done @p0 $0x0  }
0x1d: {  	[sflag:s20] =	ssyncadd.s32 @p0 $0xFFFFFFB0  }
0x1e: {  	_ =	swait.ge @p0 [sflag:s20], $0x2800  }
0x1f: {  	s21 =	sshrl.u32 @p0 s12, $0x3;
	[sflag:s20] =	ssyncset.done @p0 $0x0  }
0x20: {  	s21 =	sadd.s32 @p0 s4, s21;
	[sflag:s20] =	ssyncadd.s32 @p0 $0xFFFFD800;
	s20 =	simm.s32 @p0 $0x0  }
0x21: {  	[tilespmem:s20], [sflag:$0x1] =	stream.linear.gather @p0 [hbm4b:s21+s20], $0x50, $0x38;
	[tilespmem:$0x19100] =	vst v63  }
0x22: {  	s22 =	simm.s32 @!p0 $0x1;
	s21 =	simm.s32 @p0 $0x100  }
0x23: {  	[tilespmem:s21], [sflag:$0x1] =	stream.linear.gather @p0 [hbm4b:s11+s20], $0x2800, $0x38;
	[tilespmem:$0x19100] =	vst v63  }
0x24: {  	s23 =	simm.s32 @p0 $0x2900;
	s20 =	simm.s32 @p0 $0x50;
	s21 =	simm.s32 @p0 $0x80  }
0x25: {  	[spmem:s1] =	stream.indirect.scatter.add.f32 @p0 [tilespmem:s23], [sflag:$0x3], $0x80, s21, s20, $0xb8;
	[tilespmem:$0x19100] =	vst v63  }
0x26: {  	_ =	swait.ge @!p0 [sflag:s22], $0x50  }
0x27: {  	[sflag:s22] =	ssyncset.done @!p0 $0x0  }
0x28: {  	[sflag:s22] =	ssyncadd.s32 @!p0 $0xFFFFFFB0  }
0x29: {  	_ =	swait.ge @!p0 [sflag:s22], $0x2800  }
0x2a: {  	s20 =	sshrl.u32 @!p0 s12, $0x3;
	s21 =	simm.s32 @!p0 $0x0;
	[sflag:s22] =	ssyncset.done @!p0 $0x0  }
0x2b: {  	s20 =	sadd.s32 @!p0 s4, s20;
	[sflag:s22] =	ssyncadd.s32 @!p0 $0xFFFFD800;
	s22 =	simm.s32 @!p0 $0x80  }
0x2c: {  	[tilespmem:s22], [sflag:$0x2] =	stream.linear.gather @!p0 [hbm4b:s20+s21], $0x50, $0x38;
	[tilespmem:$0x19100] =	vst v63  }
0x2d: {  	s31 =	simm.s32 $0x1;
	s23 =	simm.s32 @!p0 $0x4;
	s22 =	simm.s32 @!p0 $0x2900  }
0x2e: {  	[tilespmem:s22], [sflag:$0x2] =	stream.linear.gather @!p0 [hbm4b:s11+s21], $0x2800, $0x38;
	[tilespmem:$0x19100] =	vst v63  }
0x2f: {  	s24 =	simm.s32 @!p0 $0x100;
	s23 =	simm.s32 @p0 $0x3;
	s22 =	simm.s32 @!p0 $0x50  }
0x30: {  	[spmem:s1] =	stream.indirect.scatter.add.f32 @!p0 [tilespmem:s24], [sflag:$0x4], $0x80, s21, s22, $0xb8;
	[tilespmem:$0x19100] =	vst v63  }
0x31: {  	s20 =	sadd.s32 $0x500, s11;
	s22 =	simm.s32 $0x2;
	_ =	swait.ge [sflag:s23], $0x2800  }
0x32: {  	s21 =	sadd.s32 $0x50, s12;
	s24 =	sand.u32 $0x1, s31;
	[sflag:s23] =	ssyncset.done $0x0  }
.LBB2_2:
0x33: {  	p0 =	seq.s32 s24, $0x1  }
0x34: {  	[sflag:s23] =	ssyncadd.s32 $0xFFFFD800;
	s24 =	smov.u32 s22;
	s22 =	sadd.s32 $0x1, s22  }
0x35: {  	s25 =	simm.s32 @p0 $0x2;
	s23 =	sshrl.u32 @p0 s21, $0x3;
	s26 =	sshrl.u32 @!p0 s21, $0x3  }
0x36: {  	_ =	swait.ge @p0 [sflag:s25], $0x50;
	s28 =	sadd.s32 @p0 s4, s23;
	s26 =	sadd.s32 @!p0 s4, s26  }
0x37: {  	p1 =	sne.s32 s22, $0x7C;
	s23 =	simm.s32 @!p0 $0x4;
	[sflag:s25] =	ssyncset.done @p0 $0x0  }
0x38: {  	[sflag:s25] =	ssyncadd.s32 @p0 $0xFFFFFFB0  }
0x39: {  	_ =	swait.ge @p0 [sflag:s25], $0x2800  }
0x3a: {  	[sflag:s25] =	ssyncset.done @p0 $0x0  }
0x3b: {  	[sflag:s25] =	ssyncadd.s32 @p0 $0xFFFFD800;
	s25 =	simm.s32 @p0 $0x0  }
0x3c: {  	[tilespmem:s25], [sflag:$0x1] =	stream.linear.gather @p0 [hbm4b:s28+s25], $0x50, $0x38;
	[tilespmem:$0x19100] =	vst v63  }
0x3d: {  	s29 =	simm.s32 @!p0 $0x1;
	s28 =	simm.s32 @p0 $0x100  }
0x3e: {  	[tilespmem:s28], [sflag:$0x1] =	stream.linear.gather @p0 [hbm4b:s20+s25], $0x2800, $0x38;
	[tilespmem:$0x19100] =	vst v63  }
0x3f: {  	s30 =	simm.s32 @p0 $0x2900;
	s25 =	simm.s32 @p0 $0x50;
	s28 =	simm.s32 @p0 $0x80  }
0x40: {  	[spmem:s1] =	stream.indirect.scatter.add.f32 @p0 [tilespmem:s30], [sflag:$0x3], $0x80, s28, s25, $0xb8;
	[tilespmem:$0x19100] =	vst v63  }
0x41: {  	_ =	swait.ge @!p0 [sflag:s29], $0x50  }
0x42: {  	[sflag:s29] =	ssyncset.done @!p0 $0x0  }
0x43: {  	[sflag:s29] =	ssyncadd.s32 @!p0 $0xFFFFFFB0  }
0x44: {  	_ =	swait.ge @!p0 [sflag:s29], $0x2800  }
0x45: {  	[sflag:s29] =	ssyncset.done @!p0 $0x0  }
0x46: {  	s25 =	simm.s32 @!p0 $0x0;
	s28 =	simm.s32 @!p0 $0x80;
	[sflag:s29] =	ssyncadd.s32 @!p0 $0xFFFFD800  }
0x47: {  	[tilespmem:s28], [sflag:$0x2] =	stream.linear.gather @!p0 [hbm4b:s26+s25], $0x50, $0x38;
	[tilespmem:$0x19100] =	vst v63  }
0x48: {  	s26 =	simm.s32 @!p0 $0x2900  }
0x49: {  	[tilespmem:s26], [sflag:$0x2] =	stream.linear.gather @!p0 [hbm4b:s20+s25], $0x2800, $0x38;
	[tilespmem:$0x19100] =	vst v63  }
.Ltmp0:
0x4a: {  	_ = 	snop;
	(pc) =	sbr.rel @p1 .LBB2_2-.Ltmp0, $4  }
0x4b: {  	s23 =	simm.s32 @p0 $0x3;
	s28 =	simm.s32 @!p0 $0x100;
	s26 =	simm.s32 @!p0 $0x50  }
0x4c: {  	[spmem:s1] =	stream.indirect.scatter.add.f32 @!p0 [tilespmem:s28], [sflag:$0x4], $0x80, s25, s26, $0xb8;
	[tilespmem:$0x19100] =	vst v63  }
0x4d: {  	s21 =	sadd.s32 $0x50, s21;
	_ =	swait.ge [sflag:s23], $0x2800  }
0x4e: {  	s24 =	sand.u32 $0x1, s24;
	s20 =	sadd.s32 $0x500, s20;
	[sflag:s23] =	ssyncset.done $0x0  }
0x4f: {  	p0 =	seq.s32 s24, $0x1  }
0x50: {  	[sflag:s23] =	ssyncadd.s32 $0xFFFFD800;
	s22 =	simm.s32 @p0 $0x2  }
0x51: {  	_ =	swait.ge @p0 [sflag:s22], $0x50  }
0x52: {  	[sflag:s22] =	ssyncset.done @p0 $0x0  }
0x53: {  	[sflag:s22] =	ssyncadd.s32 @p0 $0xFFFFFFB0  }
0x54: {  	_ =	swait.ge @p0 [sflag:s22], $0x2800  }
0x55: {  	s23 =	sshrl.u32 @p0 s21, $0x3;
	[sflag:s22] =	ssyncset.done @p0 $0x0  }
0x56: {  	s23 =	sadd.s32 @p0 s4, s23;
	[sflag:s22] =	ssyncadd.s32 @p0 $0xFFFFD800;
	s22 =	simm.s32 @p0 $0x0  }
0x57: {  	[tilespmem:s22], [sflag:$0x1] =	stream.linear.gather @p0 [hbm4b:s23+s22], $0x50, $0x38;
	[tilespmem:$0x19100] =	vst v63  }
0x58: {  	s24 =	simm.s32 @!p0 $0x1;
	s23 =	simm.s32 @p0 $0x100  }
0x59: {  	[tilespmem:s23], [sflag:$0x1] =	stream.linear.gather @p0 [hbm4b:s20+s22], $0x2800, $0x38;
	[tilespmem:$0x19100] =	vst v63  }
0x5a: {  	s25 =	simm.s32 @p0 $0x2900;
	s22 =	simm.s32 @p0 $0x50;
	s23 =	simm.s32 @p0 $0x80  }
0x5b: {  	[spmem:s1] =	stream.indirect.scatter.add.f32 @p0 [tilespmem:s25], [sflag:$0x3], $0x80, s23, s22, $0xb8;
	[tilespmem:$0x19100] =	vst v63  }
0x5c: {  	_ =	swait.ge @!p0 [sflag:s24], $0x50  }
0x5d: {  	[sflag:s24] =	ssyncset.done @!p0 $0x0  }
0x5e: {  	[sflag:s24] =	ssyncadd.s32 @!p0 $0xFFFFFFB0  }
0x5f: {  	s21 =	sshrl.u32 @!p0 s21, $0x3;
	_ =	swait.ge @!p0 [sflag:s24], $0x2800  }
0x60: {  	s21 =	sadd.s32 @!p0 s4, s21;
	[sflag:s24] =	ssyncset.done @!p0 $0x0  }
0x61: {  	s22 =	simm.s32 @!p0 $0x0;
	s23 =	simm.s32 @!p0 $0x80;
	[sflag:s24] =	ssyncadd.s32 @!p0 $0xFFFFD800  }
0x62: {  	[tilespmem:s23], [sflag:$0x2] =	stream.linear.gather @!p0 [hbm4b:s21+s22], $0x50, $0x38;
	[tilespmem:$0x19100] =	vst v63  }
0x63: {  	s21 =	simm.s32 @!p0 $0x4;
	s23 =	simm.s32 @!p0 $0x2900  }
0x64: {  	[tilespmem:s23], [sflag:$0x2] =	stream.linear.gather @!p0 [hbm4b:s20+s22], $0x2800, $0x38;
	[tilespmem:$0x19100] =	vst v63  }
0x65: {  	s21 =	simm.s32 @p0 $0x3;
	s20 =	simm.s32 @!p0 $0x50;
	s23 =	simm.s32 @!p0 $0x100  }
0x66: {  	[spmem:s1] =	stream.indirect.scatter.add.f32 @!p0 [tilespmem:s23], [sflag:$0x4], $0x80, s22, s20, $0xb8;
	[tilespmem:$0x19100] =	vst v63  }
0x67: {  	_ =	swait.ge [sflag:s21], $0x2800  }
0x68: {  	[sflag:s21] =	ssyncset.done $0x0  }
0x69: {  	[sflag:s21] =	ssyncadd.s32 $0xFFFFD800  }
0x6a: {  	_ =	swait.ge [sflag:s16], $0x50  }
0x6b: {  	[sflag:s16] =	ssyncset.done $0x0  }
0x6c: {  	[sflag:s16] =	ssyncadd.s32 $0xFFFFFFB0  }
0x6d: {  	_ =	swait.ge [sflag:s16], $0x2800  }
0x6e: {  	[sflag:s16] =	ssyncset.done $0x0  }
0x6f: {  	[sflag:s16] =	ssyncadd.s32 $0xFFFFD800  }
0x70: {  	[spmem:s1] =	stream.indirect.scatter.add.f32 [tilespmem:s15], [sflag:$0x4], $0x80, s3, s17, $0xb8;
	[tilespmem:$0x19100] =	vst v63  }
0x71: {  	_ =	swait.ge [sflag:s18], $0x2800  }
0x72: {  	s19 =	sadd.s32 $0x1, s19;
	[sflag:s18] =	ssyncset.done $0x0  }
0x73: {  	p0 =	sne.s32 s19, s10;
	[sflag:s18] =	ssyncadd.s32 $0xFFFFD800  }
.Ltmp1:
0x74: {  	[bflag:$0x0] =	sbarrier.arrive $0xFFFF;
	(pc) =	sbr.rel @p0 .LBB2_1-.Ltmp1, $4  }
0x75: {  	[hbm:s9], [sflag:s6] =	dma.local [spmem:s13], $0x2800  }
0x76: {  	_ =	swait.ge [sflag:s14], $0x2800  }
0x77: {  	[sflag:s14] =	ssyncset.done $0x0  }
0x78: {  	[sflag:s14] =	ssyncadd.s32 $0xFFFFD800  }
0x79: {  	_ =	sfence.sel $0x180000  }
0x7a: {  	[bflag:$0x0] =	sbarrier.arrive $0xFFFF  }
0x7b: {  	p0 =	sne.s32 s2, $0x0;
	_ =	strace $0x9000004A  }
0x7c: {  	s0 =	sadd.s32 @!p0 $0x100000, s0;
	[bflag:$0x2] =	sbarrier.arrive $0xFFFF  }
0x7d: {  	[sflag:s0] =	ssyncadd.tile.s32 @!p0 $0x1;
	_ =	shalt  }
.Lfunc_end2:
_tile_overlayer_lowered:
.L_overlay_start_2:
0x7e: {  	(tag) =	ssettag $0x2  }
0x7f: {  	s0 =	rddreg [dreg:$0x0];
	s2 =	stileid.u32  }
0x80: {  	s1 =	rddreg [dreg:$0x1];
	p0 =	sne.s32 s2, $0x0  }
0x81: {  	s3 =	rddreg [dreg:$0x2];
	[bflag:$0x3] =	sbarrier.arrive $0xFFFF;
	s2 =	simm.s32 @!p0 $0x1C03  }
0x82: {  	[timem:s3], [sflag:s2] =	dma.local @!p0 [hbm:s0], s1  }
0x83: {  	s0 =	simm.s32 @!p0 $0x3  }
0x84: {  	_ =	swait.ge @!p0 [sflag:s0], s1  }
0x85: {  	s1 =	ssub.s32 @!p0 $0x0, s1;
	[sflag:s0] =	ssyncset.done @!p0 $0x0  }
0x86: {  	[sflag:s0] =	ssyncadd.s32 @!p0 s1  }
0x87: {  	[bflag:$0x3] =	sbarrier.arrive $0xFFFF  }
0x88: {  	_ =	shalt  }

// kernel: kernel.8.cloned.1.call-start
scs
__scs_entry_jumppad:
0x0: {  	(pc) =	sbr.rel $0x88, $3  }
0x1: {  	(tag) =	ssettag $0x0;
	lr =	simm.s32 $0x1  }
0x2: {  	[smem:$0x3F93] =	sst lr;
	_ =	strace $0xD0000000  }
0x3: {  	_ = 	snop  }
0x4: {  	_ = 	snop  }
0x5: {  	_ = 	snop  }
0x6: {  	_ = 	snop  }
0x7: {  	_ = 	snop  }
__scs_overlays_trampoline_lowered:
0x8: {  	[smem:$0x3FA2] =	sst s0  }
0x9: {  	[smem:$0x3FA3] =	sst s1  }
0xa: {  	[smem:$0x3FA4] =	sst s2  }
0xb: {  	[smem:$0x3FA5] =	sst s3  }
0xc: {  	[smem:$0x3FA6] =	sst s4  }
0xd: {  	[smem:$0x3FA7] =	sst s5  }
0xe: {  	[smem:$0x3FA8] =	sst s6  }
0xf: {  	[smem:$0x3FA9] =	sst s7  }
0x10: {  	[smem:$0x3FAA] =	sst s8  }
0x11: {  	[smem:$0x3FAB] =	sst s9;
	s0 =	simm.s32 @!p0 $0x0  }
0x12: {  	s1 =	sld [smem:$0x3F91];
	s0 =	simm.s32 @p0 $0x1  }
0x13: {  	[smem:$0x3FAC] =	sst s0;
	s0 =	simm.s32 @!p1 $0x0  }
0x14: {  	s2 =	sld [smem:$0x3F90];
	s0 =	simm.s32 @p1 $0x1  }
0x15: {  	[smem:$0x3FAD] =	sst s0;
	s0 =	simm.s32 @!p2 $0x0  }
0x16: {  	s3 =	sld [smem:$0x3FDB];
	s0 =	simm.s32 @p2 $0x1  }
0x17: {  	s4 =	simm.s32 $0x1BF5;
	[smem:$0x3FAF] =	sst s0  }
0x18: {  	s0 =	sld [smem:$0x3F92];
	_ =	swait.ge [sflag:s4], $0x0  }
0x19: {  	s7 =	sld [smem:$0x3F93]  }
0x1a: {  	s8 =	sadd.s32 $0xFFFFE003, lr  }
0x1b: {  	s9 =	sadd.s32 $0xFFFFFEF7, lr;
	s5 =	simm.s32 $0xFFFFFFFF;
	p2 =	slt.u32 s8, $0xFFFFF086  }
0x1c: {  	p1 =	slt.u32 s9, $0xF7A;
	s5 =	simm.s32 @!p2 $0x0  }
0x1d: {  	s5 =	simm.s32 @p1 $0x1;
	p0 =	seq.s32 s7, s2  }
0x1e: {  	s7 =	smul.u32 @!p0 $0xF7A, s2;
	p2 =	seq.s32 @!p0 s5, $0x0  }
0x1f: {  	s9 =	smul.u32 $0xF7A, s1;
	s8 =	simm.s32 @!p0 $0x1BF5;
	p2 =	por !p2, p0  }
0x20: {  	[sflag:s8] =	ssyncset.s32 @!p0 $0xFFFFF086;
	s6 =	sadd.s32 @!p0 s3, s7;
	s7 =	simm.s32 @!p0 $0x108  }
0x21: {  	s3 =	sadd.s32 s3, s9;
	s6 =	sadd.s32 @!p0 $0x88, s6;
	s7 =	simm.s32 @p2 $0x1082  }
0x22: {  	[simem:s7], [sflag:s8] =	dma.local @!p0 [hbm:s6], $0xF7A  }
0x23: {  	s9 =	sor.u32 $0xD0000000, s2;
	s6 =	simm.s32 $0x108;
	_ =	swait.ge @!p0 [sflag:s8], $0x0  }
0x24: {  	s3 =	sadd.s32 $0x88, s3;
	s6 =	simm.s32 @!p1 $0x1082;
	[sflag:s4] =	ssyncset.s32 $0xFFFFF086  }
0x25: {  	[simem:s6], [sflag:s4] =	dma.local [hbm:s3], $0xF7A  }
0x26: {  	[smem:$0x3F93] =	sst s1;
	(tag) =	ssettag s2;
	_ =	strace s9  }
0x27: {  	s1 =	sld [smem:$0x3FA3]  }
0x28: {  	s2 =	sld [smem:$0x3FA4]  }
0x29: {  	s4 =	sld [smem:$0x3FA6]  }
0x2a: {  	p0 =	seq.s32 s5, $0x0;
	s5 =	sld [smem:$0x3FA7]  }
0x2b: {  	s6 =	sld [smem:$0x3FA8]  }
0x2c: {  	s7 =	sld [smem:$0x3FA9]  }
0x2d: {  	s3 =	simm.s32 $0x108;
	s8 =	sld [smem:$0x3FAA]  }
0x2e: {  	s3 =	simm.s32 @!p0 $0x1082;
	s9 =	sld [smem:$0x3FAB]  }
0x2f: {  	lr =	sadd.s32 s0, s3;
	s0 =	sld [smem:$0x3FA2]  }
0x30: {  	s3 =	sld [smem:$0x3FA5]  }
0x31: {  	[smem:$0x3FAE] =	sst s10  }
0x32: {  	s10 =	sld [smem:$0x3FAC];
	_ =	sdelay $0x3  }
0x33: {  	p0 =	seq.s32 s10, $0x1;
	s10 =	sld [smem:$0x3FAE];
	_ =	sdelay $0x3  }
0x34: {  	[smem:$0x3FAE] =	sst s10  }
0x35: {  	s10 =	sld [smem:$0x3FAD];
	_ =	sdelay $0x3  }
0x36: {  	p1 =	seq.s32 s10, $0x1;
	s10 =	sld [smem:$0x3FAE];
	_ =	sdelay $0x3  }
0x37: {  	[smem:$0x3FAE] =	sst s10  }
0x38: {  	s10 =	sld [smem:$0x3FAF]  }
0x39: {  	_ = 	snop;
	(pc) =	sbr.ind lr, $3  }
0x3a: {  	_ = 	snop  }
0x3b: {  	_ = 	snop  }
0x3c: {  	p2 =	seq.s32 s10, $0x1;
	s10 =	sld [smem:$0x3FAE]  }
0x3d: {  	_ =	shalt  }
0x3e: {  	_ =	shalt  }
0x3f: {  	_ =	shalt  }
0x40: {  	_ =	shalt  }
0x41: {  	_ =	shalt  }
0x42: {  	_ =	shalt  }
0x43: {  	_ =	shalt  }
0x44: {  	_ =	shalt  }
0x45: {  	_ =	shalt  }
0x46: {  	_ =	shalt  }
0x47: {  	_ =	shalt  }
0x48: {  	_ =	shalt  }
0x49: {  	_ =	shalt  }
0x4a: {  	_ =	shalt  }
0x4b: {  	_ =	shalt  }
0x4c: {  	_ =	shalt  }
0x4d: {  	_ =	shalt  }
0x4e: {  	_ =	shalt  }
0x4f: {  	_ =	shalt  }
0x50: {  	_ =	shalt  }
0x51: {  	_ =	shalt  }
0x52: {  	_ =	shalt  }
0x53: {  	_ =	shalt  }
0x54: {  	_ =	shalt  }
0x55: {  	_ =	shalt  }
0x56: {  	_ =	shalt  }
0x57: {  	_ =	shalt  }
0x58: {  	_ =	shalt  }
0x59: {  	_ =	shalt  }
0x5a: {  	_ =	shalt  }
0x5b: {  	_ =	shalt  }
0x5c: {  	_ =	shalt  }
0x5d: {  	_ =	shalt  }
0x5e: {  	_ =	shalt  }
0x5f: {  	_ =	shalt  }
0x60: {  	_ =	shalt  }
0x61: {  	_ =	shalt  }
0x62: {  	_ =	shalt  }
0x63: {  	_ =	shalt  }
0x64: {  	_ =	shalt  }
0x65: {  	_ =	shalt  }
0x66: {  	_ =	shalt  }
0x67: {  	_ =	shalt  }
0x68: {  	_ =	shalt  }
0x69: {  	_ =	shalt  }
0x6a: {  	_ =	shalt  }
0x6b: {  	_ =	shalt  }
0x6c: {  	_ =	shalt  }
0x6d: {  	_ =	shalt  }
0x6e: {  	_ =	shalt  }
0x6f: {  	_ =	shalt  }
0x70: {  	_ =	shalt  }
0x71: {  	_ =	shalt  }
0x72: {  	_ =	shalt  }
0x73: {  	_ =	shalt  }
0x74: {  	_ =	shalt  }
0x75: {  	_ =	shalt  }
0x76: {  	_ =	shalt  }
0x77: {  	_ =	shalt  }
0x78: {  	_ =	shalt  }
0x79: {  	_ =	shalt  }
0x7a: {  	_ =	shalt  }
0x7b: {  	_ =	shalt  }
0x7c: {  	_ =	shalt  }
0x7d: {  	_ =	shalt  }
0x7e: {  	_ =	shalt  }
0x7f: {  	_ =	shalt  }
0x80: {  	_ =	shalt  }
0x81: {  	_ =	shalt  }
0x82: {  	_ =	shalt  }
0x83: {  	_ =	shalt  }
0x84: {  	_ =	shalt  }
0x85: {  	_ =	shalt  }
0x86: {  	_ =	shalt  }
0x87: {  	_ =	shalt  }
.Lfunc_end0:
.L_simem_size_0:
called_computation_lowered:
.L_overlay_start_0:
0x88: {  	s2 =	sld [smem:$0x3FD9]  }
0x89: {  	s3 =	sld [smem:$0x3FFE];
	_ =	sdelay $0x1  }
0x8a: {  	s1 =	srdreg.scid  }
0x8b: {  	s0 =	sand.u32 $0x1, s1  }
0x8c: {  	s17 =	sshll.u32 s0, $0xA;
	s2 =	sadd.s32 s3, s2  }
0x8d: {  	s2 =	sadd.s32 s2, s17  }
0x8e: {  	[smem:$0x3FBA] =	sst s2  }
0x8f: {  	_ = 	snop  }
0x90: {  	s2 =	sld [smem:$0x3FD0];
	(tm) =	ssettm $0x1  }
0x91: {  	s18 =	sld [smem:$0x3FFB];
	_ =	sdelay $0x3  }
0x92: {  	_ =	strace s18  }
0x93: {  	s3 =	sld [smem:$0x3FFC];
	_ =	sdelay $0x3  }
0x94: {  	_ =	strace s3  }
0x95: {  	s3 =	sld [smem:$0x3FFD];
	_ =	sdelay $0x3  }
0x96: {  	_ =	strace s3  }
0x97: {  	_ =	strace $0x8FFFFFFF  }
0x98: {  	s19 =	sld [smem:$0x3FDB];
	_ =	sdelay $0x1  }
0x99: {  	s4 =	simm.s32 $_scs_section_size  }
0x9a: {  	s5 =	simm.s32 $_size__tile_overlayer_lowered;
	s6 =	simm.s32 $_tile_overlayer_lowered  }
0x9b: {  	s22 =	simm.s32 $0x1BFF;
	s21 =	sshll.u32 s6, $0x1;
	s3 =	sadd.s32 s4, s19  }
0x9c: {  	s7 =	simm.s32 $0x0;
	s20 =	sshll.u32 s5, $0x1;
	s5 =	sadd.s32 s21, s3  }
0x9d: {  	[timem:s7], [sflag:s22] =	dma.local [hbm:s5], s20  }
0x9e: {  	_ =	swait.ge [sflag:s22], s20  }
0x9f: {  	s4 =	ssub.s32 $0x0, s20;
	[sflag:s22] =	ssyncset.done $0x0  }
0xa0: {  	[sflag:s22] =	ssyncadd.s32 s4;
	_ =	sdelay $0x1  }
0xa1: {  	s23 =	simm.s32 $0x1B8B  }
0xa2: {  	_ =	swait.ge [sflag:s23], $0x1  }
0xa3: {  	[sflag:s23] =	ssyncset.done $0x0  }
0xa4: {  	s25 =	simm.s32 $0x1B8E;
	s24 =	sld [smem:$0x3FFE];
	[sflag:s23] =	ssyncadd.s32 $0xFFFFFFFF  }
0xa5: {  	s26 =	simm.s32 $execute0_lowered;
	[smem:$0x3FD2] =	sst s25  }
0xa6: {  	s5 =	sshll.u32 s26, $0x1;
	_ =	strace $0x80000046;
	[dreg:$0x1] =	wrdreg $0xFFFFFFFF  }
0xa7: {  	s28 =	simm.s32 $_size_execute0_lowered;
	s3 =	sadd.s32 s3, s5;
	[dreg:$0x0] =	wrdreg $0x0  }
0xa8: {  	s5 =	sshll.u32 s28, $0x1;
	[dreg:$0x2] =	wrdreg s3  }
0xa9: {  	[dreg:$0x3] =	wrdreg s5  }
0xaa: {  	[dreg:$0x4] =	wrdreg $0xC0  }
0xab: {  	_ =	task [dreg:s7], $0x5FFFF  }
0xac: {  	[dreg:$0x1] =	wrdreg $0xFFFFFFFF  }
0xad: {  	[dreg:$0x0] =	wrdreg $0x60  }
0xae: {  	[dreg:$0x2] =	wrdreg s2  }
0xaf: {  	[dreg:$0x3] =	wrdreg s24  }
0xb0: {  	[dreg:$0x4] =	wrdreg $0x9  }
0xb1: {  	_ =	task.clear_ibuf [dreg:s7], $0x5FFFF;
	_ =	strace $0x90000046  }
0xb2: {  	s29 =	simm.s32 $0x9;
	_ =	strace $0x80000048  }
0xb3: {  	_ =	swait.ge [sflag:s29], $0x1  }
0xb4: {  	[sflag:s29] =	ssyncadd.s32 $0xFFFFFFFF  }
0xb5: {  	_ =	strace $0x90000048  }
0xb6: {  	_ =	sfence  }
0xb7: {  	s30 =	sld [smem:$0x0];
	_ =	sdelay $0x2  }
0xb8: {  	s31 =	sshll.u32 s1, $0xD;
	s1 =	sshrl.u32 s1, $0x2  }
0xb9: {  	s3 =	sand.u32 $0x4000, s31;
	s1 =	sadd.s32 s1, s30  }
0xba: {  	s0 =	sor.u32 s3, s0;
	s1 =	sshll.u32 s1, $0x11  }
0xbb: {  	s0 =	sor.u32 s1, s0  }
0xbc: {  	s0 =	sadd.s32 $0x8F2B, s0  }
0xbd: {  	[sflag:s0] =	ssyncadd.remote.s32 $0x1  }
0xbe: {  	_ =	sfence.sel $0xFFFF  }
0xbf: {  	[dreg:$0x0] =	wrdreg $0xFFFFFFFF;
	(pc) =	sbr.abs _section_cstart, $3  }
0xc0: {  	[dreg:$0x1] =	wrdreg $0xFFFFFFFF  }
0xc1: {  	_ =	task.clear_ibuf [dreg:s7], $0x2FFFF;
	_ =	strace $0x9FFFFFFF  }
0xc2: {  	(tm) =	ssettm $0x7FFFFFFF  }
0xc3: {  	_ =	shalt  }
tec
execute0_lowered:
.L_overlay_start_1:
0x0: {  	(tag) =	ssettag $0x1  }
0x1: {  	s2 =	rddreg [dreg:$0x0]  }
0x2: {  	s7 =	rddreg [dreg:$0x1]  }
0x3: {  	s0 =	stileid.u32;
	s4 =	srdreg.scid  }
0x4: {  	s3 =	simm.s32 $0x0;
	s16 =	simm.s32 $0x2;
	s17 =	simm.s32 $0x50  }
0x5: {  	s18 =	simm.s32 $0x80;
	s19 =	simm.s32 $0x2A00;
	s20 =	simm.s32 $0x180  }
0x6: {  	s21 =	simm.s32 $0x7A00;
	s22 =	simm.s32 $0x4;
	s23 =	simm.s32 $0x0  }
0x7: {  	s8 =	sand.u32 $0x1, s4;
	s28 =	sshll.u32 s0, $0x1;
	s9 =	smul.u32 $0x4E200, s0  }
0x8: {  	[smem:$0x7FF] =	sst s3;
	s5 =	sadd.s32 $0x2E00, s7;
	s11 =	smul.u32 $0x4E20, s0  }
0x9: {  	s6 =	sadd.s32 $0xCC00, s7;
	s4 =	sor.u32 s8, s28;
	s13 =	smul.u32 $0x2710, s8  }
0xa: {  	_ =	strace $0x80000047;
	s12 =	ssub.s32 $0x2, s8;
	s15 =	smul.u32 $0x27100, s8  }
0xb: {  	s10 =	smul.u32 $0x2710, s4;
	s4 =	sadd.s32 $0x16A00, s7;
	s14 =	sshrl.u32 s12, $0x1  }
.Ltmp0:
0xc: {  	s9 =	sadd.s32 s9, s7;
	s12 =	ssub.s32 s12, s14;
	(pc) =	sbr.rel .LBB2_1-.Ltmp0, $4  }
0xd: {  	s30 =	sadd.s32 s13, s11;
	s31 =	sadd.s32 s15, s9;
	s14 =	simm.s32 $0x5  }
0xe: {  	s15 =	simm.s32 $0x6;
	s10 =	sshrl.u32 s10, $0x3;
	s9 =	smax.u32 s12, $0x1  }
0xf: {  	s11 =	sadd.s32 $0x3DC00, s31;
	s12 =	sadd.s32 $0x51FC00, s31;
	s29 =	sadd.s32 s5, s10  }
0x10: {  	s8 =	sadd.s32 s6, s10;
	s10 =	sadd.s32 $0x50, s30;
	[dreg:$0x3] =	wrdreg s29  }
.LBB2_5:
0x11: {  	_ =	swait.ge [sflag:s14], $0x2800  }
0x12: {  	[sflag:s14] =	ssyncset.done $0x0  }
0x13: {  	[sflag:s14] =	ssyncadd.s32 $0xFFFFD800  }
0x14: {  	_ =	swait.ge [sflag:s14], $0x2800  }
0x15: {  	[sflag:s14] =	ssyncset.done $0x0  }
0x16: {  	s23 =	sadd.s32 $0x1, s23;
	[sflag:s14] =	ssyncadd.s32 $0xFFFFD800  }
0x17: {  	p0 =	sne.s32 s23, s9;
	_ =	swait.ge [sflag:s15], $0x2800  }
.Ltmp1:
0x18: {  	[sflag:s15] =	ssyncset.done $0x0;
	(pc) =	sbr.rel @!p0 .LBB2_6-.Ltmp1, $4  }
0x19: {  	[sflag:s15] =	ssyncadd.s32 $0xFFFFD800  }
0x1a: {  	_ =	swait.ge [sflag:s15], $0x2800  }
0x1b: {  	[sflag:s15] =	ssyncset.done $0x0  }
0x1c: {  	[sflag:s15] =	ssyncadd.s32 $0xFFFFD800  }
.LBB2_1:
.Ltmp2:
0x1d: {  	(pc) =	sbr.rel .LBB2_2-.Ltmp2, $4  }
0x1e: {  	s0 =	rddreg [dreg:$0x3];
	s31 =	simm.s32 $0x100  }
0x1f: {  	[tilespmem:s3], [sflag:$0x1] =	stream.linear.gather [hbm4b:s0+s3], $0x50, $0x38;
	[tilespmem:$0xA200] =	vst v63  }
0x20: {  	s24 =	simm.s32 $0x0;
	s25 =	smov.u32 s10;
	s26 =	simm.s32 $0x0  }
0x21: {  	[tilespmem:s31], [sflag:$0x1] =	stream.linear.gather [hbm4b:s8+s3], $0x50, $0x38;
	[tilespmem:$0xA200] =	vst v63  }
.LBB2_4:
0x22: {  	s24 =	sadd.s32 $0x500, s24  }
0x23: {  	p0 =	sne.s32 s24, $0x27100  }
.Ltmp3:
0x24: {  	_ = 	snop;
	(pc) =	sbr.rel @!p0 .LBB2_5-.Ltmp3, $2  }
0x25: {  	_ =	sdelay $0x2  }
0x26: {  	s26 =	sadd.s32 $0x1, s26;
	s25 =	sadd.s32 $0x50, s25  }
.LBB2_2:
0x27: {  	s28 =	sand.u32 $0x1, s26  }
0x28: {  	p0 =	seq.s32 s28, $0x1  }
0x29: {  	p1 =	slt.u32 @!p0 s26, $0x2  }
0x2a: {  	p1 =	por p1, p0  }
0x2b: {  	s29 =	simm.s32 @!p1 $0x5  }
0x2c: {  	_ =	swait.ge @!p1 [sflag:s29], $0x2800  }
0x2d: {  	[sflag:s29] =	ssyncset.done @!p1 $0x0  }
0x2e: {  	[sflag:s29] =	ssyncadd.s32 @!p1 $0xFFFFD800  }
0x2f: {  	_ =	swait.ge @!p1 [sflag:s29], $0x2800  }
0x30: {  	[sflag:s29] =	ssyncset.done @!p1 $0x0  }
0x31: {  	[sflag:s29] =	ssyncadd.s32 @!p1 $0xFFFFD800;
	s29 =	simm.s32 @!p0 $0x1  }
0x32: {  	_ =	swait.ge @!p0 [sflag:s29], $0x50  }
0x33: {  	[sflag:s29] =	ssyncset.done @!p0 $0x0  }
0x34: {  	[sflag:s29] =	ssyncadd.s32 @!p0 $0xFFFFFFB0  }
0x35: {  	_ =	swait.ge @!p0 [sflag:s29], $0x50  }
0x36: {  	s30 =	simm.s32 @!p0 $0x0;
	s31 =	simm.s32 @!p0 $0x200;
	[sflag:s29] =	ssyncset.done @!p0 $0x0  }
0x37: {  	p1 =	seq.s32 @!p0 s24, $0x26C00;
	[sflag:s29] =	ssyncadd.s32 @!p0 $0xFFFFFFB0;
	s29 =	simm.s32 @!p0 $0x50  }
0x38: {  	[tilespmem:s31], [sflag:$0x3] =	stream.indirect.gather @!p0 [hbm4b:s4+s29], $0x80, s30, s29, $0xb8;
	[tilespmem:$0xA200] =	vst v63  }
0x39: {  	s0 =	simm.s32 @!p0 $0x100;
	s1 =	simm.s32 @!p0 $0x5200;
	p1 =	por p1, p0  }
0x3a: {  	[tilespmem:s1], [sflag:$0x3] =	stream.indirect.gather @!p0 [hbm4b:s2+s29], $0x80, s0, s29, $0xb8;
	[tilespmem:$0xA200] =	vst v63  }
0x3b: {  	s0 =	sshrl.u32 @!p1 s25, $0x3  }
0x3c: {  	s13 =	simm.s32 @!p1 $0x0;
	s7 =	simm.s32 @!p1 $0x80;
	s29 =	sadd.s32 @!p1 s5, s0  }
0x3d: {  	[tilespmem:s7], [sflag:$0x2] =	stream.linear.gather @!p1 [hbm4b:s29+s13], $0x50, $0x38;
	[tilespmem:$0xA200] =	vst v63  }
0x3e: {  	s0 =	sadd.s32 @!p1 s6, s0;
	s7 =	simm.s32 @!p1 $0x180  }
0x3f: {  	[tilespmem:s7], [sflag:$0x2] =	stream.linear.gather @!p1 [hbm4b:s0+s13], $0x50, $0x38;
	[tilespmem:$0xA200] =	vst v63  }
0x40: {  	s0 =	simm.s32 @!p0 $0x3  }
0x41: {  	_ =	swait.ge @!p0 [sflag:s0], $0x2800  }
0x42: {  	[sflag:s0] =	ssyncset.done @!p0 $0x0  }
0x43: {  	[sflag:s0] =	ssyncadd.s32 @!p0 $0xFFFFD800  }
0x44: {  	_ =	swait.ge @!p0 [sflag:s0], $0x2800  }
0x45: {  	[sflag:s0] =	ssyncset.done @!p0 $0x0  }
0x46: {  	[sflag:s0] =	ssyncadd.s32 @!p0 $0xFFFFD800;
	s0 =	sadd.s32 @!p0 s24, s11  }
0x47: {  	[hbm4b:s0+s30] =	stream.linear.scatter @!p0 [tilespmem:s31], [sflag:$0x5], $0x2800, $0x38;
	[tilespmem:$0xA200] =	vst v63  }
0x48: {  	p1 =	seq.s32 @!p0 s28, $0x0;
	s0 =	sadd.s32 @!p0 s24, s12  }
0x49: {  	[hbm4b:s0+s30] =	stream.linear.scatter @!p0 [tilespmem:s1], [sflag:$0x5], $0x2800, $0x38;
	[tilespmem:$0xA200] =	vst v63  }
0x4a: {  	p0 =	por p0, !p1  }
.Ltmp4:
0x4b: {  	_ = 	snop;
	(pc) =	sbr.rel @!p0 .LBB2_4-.Ltmp4, $1  }
0x4c: {  	_ =	sdelay $0x3  }
0x4d: {  	p0 =	slt.u32 s26, $0x2  }
0x4e: {  	s0 =	simm.s32 @!p0 $0x6  }
0x4f: {  	_ =	swait.ge @!p0 [sflag:s0], $0x2800  }
0x50: {  	[sflag:s0] =	ssyncset.done @!p0 $0x0  }
0x51: {  	[sflag:s0] =	ssyncadd.s32 @!p0 $0xFFFFD800  }
0x52: {  	_ =	swait.ge @!p0 [sflag:s0], $0x2800  }
0x53: {  	[sflag:s0] =	ssyncset.done @!p0 $0x0  }
0x54: {  	[sflag:s0] =	ssyncadd.s32 @!p0 $0xFFFFD800  }
0x55: {  	_ =	swait.ge [sflag:s16], $0x50  }
0x56: {  	[sflag:s16] =	ssyncset.done $0x0  }
0x57: {  	[sflag:s16] =	ssyncadd.s32 $0xFFFFFFB0  }
0x58: {  	_ =	swait.ge [sflag:s16], $0x50  }
0x59: {  	[sflag:s16] =	ssyncset.done $0x0  }
0x5a: {  	p0 =	seq.s32 s24, $0x26C00;
	[sflag:s16] =	ssyncadd.s32 $0xFFFFFFB0  }
0x5b: {  	[tilespmem:s19], [sflag:$0x4] =	stream.indirect.gather [hbm4b:s4+s17], $0x80, s18, s17, $0xb8;
	[tilespmem:$0xA200] =	vst v63  }
0x5c: {  	s0 =	sshrl.u32 @!p0 s25, $0x3  }
0x5d: {  	[tilespmem:s21], [sflag:$0x4] =	stream.indirect.gather [hbm4b:s2+s17], $0x80, s20, s17, $0xb8;
	[tilespmem:$0xA200] =	vst v63  }
0x5e: {  	s7 =	simm.s32 @!p0 $0x0;
	s1 =	sadd.s32 @!p0 s5, s0  }
0x5f: {  	[tilespmem:s7], [sflag:$0x1] =	stream.linear.gather @!p0 [hbm4b:s1+s7], $0x50, $0x38;
	[tilespmem:$0xA200] =	vst v63  }
0x60: {  	s0 =	sadd.s32 @!p0 s6, s0;
	s1 =	simm.s32 @!p0 $0x100  }
0x61: {  	[tilespmem:s1], [sflag:$0x1] =	stream.linear.gather @!p0 [hbm4b:s0+s7], $0x50, $0x38;
	[tilespmem:$0xA200] =	vst v63  }
0x62: {  	_ =	swait.ge [sflag:s22], $0x2800  }
0x63: {  	[sflag:s22] =	ssyncset.done $0x0  }
0x64: {  	[sflag:s22] =	ssyncadd.s32 $0xFFFFD800  }
0x65: {  	_ =	swait.ge [sflag:s22], $0x2800  }
.Ltmp5:
0x66: {  	[sflag:s22] =	ssyncset.done $0x0;
	(pc) =	sbr.rel .LBB2_4-.Ltmp5, $4  }
0x67: {  	s30 =	sadd.s32 s24, s11;
	[sflag:s22] =	ssyncadd.s32 $0xFFFFD800  }
0x68: {  	[hbm4b:s30+s3] =	stream.linear.scatter [tilespmem:s19], [sflag:$0x6], $0x2800, $0x38;
	[tilespmem:$0xA200] =	vst v63  }
0x69: {  	s31 =	sadd.s32 s24, s12  }
0x6a: {  	[hbm4b:s31+s3] =	stream.linear.scatter [tilespmem:s21], [sflag:$0x6], $0x2800, $0x38;
	[tilespmem:$0xA200] =	vst v63  }
.LBB2_6:
0x6b: {  	_ =	sfence.sel $0x180000  }
0x6c: {  	[bflag:$0x0] =	sbarrier.arrive $0xFFFF  }
0x6d: {  	_ =	strace $0x90000047  }
0x6e: {  	s0 =	stileid.u32;
	[bflag:$0x2] =	sbarrier.arrive $0xFFFF  }
0x6f: {  	p0 =	sne.s32 s0, $0x0;
	s0 =	rddreg [dreg:$0x2]  }
0x70: {  	s0 =	sadd.s32 @!p0 $0x100000, s0  }
0x71: {  	[sflag:s0] =	ssyncadd.tile.s32 @!p0 $0x1;
	_ =	shalt  }
.Lfunc_end2:
_tile_overlayer_lowered:
.L_overlay_start_2:
0x72: {  	(tag) =	ssettag $0x2  }
0x73: {  	s0 =	rddreg [dreg:$0x0];
	s2 =	stileid.u32  }
0x74: {  	s1 =	rddreg [dreg:$0x1];
	p0 =	sne.s32 s2, $0x0  }
0x75: {  	s3 =	rddreg [dreg:$0x2];
	[bflag:$0x3] =	sbarrier.arrive $0xFFFF;
	s2 =	simm.s32 @!p0 $0x1C07  }
0x76: {  	[timem:s3], [sflag:s2] =	dma.local @!p0 [hbm:s0], s1  }
0x77: {  	s0 =	simm.s32 @!p0 $0x7  }
0x78: {  	_ =	swait.ge @!p0 [sflag:s0], s1  }
0x79: {  	s1 =	ssub.s32 @!p0 $0x0, s1;
	[sflag:s0] =	ssyncset.done @!p0 $0x0  }
0x7a: {  	[sflag:s0] =	ssyncadd.s32 @!p0 s1  }
0x7b: {  	[bflag:$0x3] =	sbarrier.arrive $0xFFFF  }
0x7c: {  	_ =	shalt  }

</sc_bundles>
